<compile_context>
chip_gen: v7x
topology: tpu7x:2x2x1
jax: 0.10.2.dev20260603
libtpu: 0.0.44.dev20260713+nightly
codegen_flags: <defaults>
</compile_context>

<pallas_src>
import functools
import jax
import jax.numpy as jnp
from jax import lax
from jax.experimental import pallas as pl
from jax.experimental.pallas import tpu as pltpu
from jax.experimental.pallas import tpu_sc as plsc

E = 16
D = 2048
NW = 32
TPW = 512
L = 16
NEG_INF = float("-inf")


def _matmul_body(x_ref, w_ref, lt_ref):
    x = x_ref[...]
    w = w_ref[...]
    lt = jax.lax.dot_general(w, x, (((0,), (1,)), ((), ())),
                             preferred_element_type=jnp.float32)
    lt_ref[...] = lt[None]


def _tc_logits(x2, W, N, tpw, off):
    return pl.pallas_call(
        _matmul_body,
        grid=(N // tpw,),
        in_specs=[
            pl.BlockSpec((tpw, D), lambda i: (i + off, 0)),
            pl.BlockSpec((D, E), lambda i: (0, 0)),
        ],
        out_specs=pl.BlockSpec((1, E, tpw), lambda i: (i, 0, 0)),
        out_shape=jax.ShapeDtypeStruct((N // tpw, E, tpw), jnp.float32),
    )(x2, W)


def _sc_route_body(tpw, lt_hbm, wT_hbm, tw1_hbm, tw2_hbm, te1_hbm, te2_hbm,
                   lt_v, wT_v, tw1_v, tw2_v, te1_v, te2_v):
    c = lax.axis_index("c")
    s = lax.axis_index("s")
    wid = s * 2 + c
    pltpu.sync_copy(lt_hbm.at[wid], lt_v)

    def group(t0, _):
        sl = pl.ds(t0 * L, L)
        rows = [lt_v[e, sl] for e in range(E)]
        m = rows[0]
        i1 = jnp.zeros((L,), jnp.int32)
        for e in range(1, E):
            p = rows[e] > m
            m = jnp.where(p, rows[e], m)
            i1 = jnp.where(p, e, i1)
        m2 = jnp.full((L,), NEG_INF, jnp.float32)
        i2 = jnp.zeros((L,), jnp.int32)
        ssum = jnp.zeros((L,), jnp.float32)
        exs = []
        for e in range(E):
            ex = jnp.exp(rows[e] - m)
            exs.append(ex)
            ssum = ssum + ex
            me = jnp.where(i1 == e, NEG_INF, rows[e])
            p2 = me > m2
            m2 = jnp.where(p2, me, m2)
            i2 = jnp.where(p2, e, i2)
        rs = 1.0 / ssum
        for e in range(E):
            wT_v[e, sl] = exs[e] * rs
        e2 = jnp.exp(m2 - m)
        r = 1.0 / (1.0 + e2)
        tw1_v[sl] = r
        tw2_v[sl] = e2 * r
        te1_v[sl] = i1
        te2_v[sl] = i2
        return 0

    lax.fori_loop(0, tpw // L, group, 0)

    pltpu.sync_copy(wT_v, wT_hbm.at[wid])
    pltpu.sync_copy(tw1_v, tw1_hbm.at[wid])
    pltpu.sync_copy(tw2_v, tw2_hbm.at[wid])
    pltpu.sync_copy(te1_v, te1_hbm.at[wid])
    pltpu.sync_copy(te2_v, te2_hbm.at[wid])


def _sc_route(lt, tpw):
    mesh = plsc.VectorSubcoreMesh(core_axis_name="c", subcore_axis_name="s")
    f = functools.partial(
        pl.kernel, mesh=mesh,
        out_type=[
            jax.ShapeDtypeStruct((NW, E, tpw), jnp.float32),
            jax.ShapeDtypeStruct((NW, tpw), jnp.float32),
            jax.ShapeDtypeStruct((NW, tpw), jnp.float32),
            jax.ShapeDtypeStruct((NW, tpw), jnp.int32),
            jax.ShapeDtypeStruct((NW, tpw), jnp.int32),
        ],
        scratch_types=[
            pltpu.VMEM((E, tpw), jnp.float32),
            pltpu.VMEM((E, tpw), jnp.float32),
            pltpu.VMEM((tpw,), jnp.float32),
            pltpu.VMEM((tpw,), jnp.float32),
            pltpu.VMEM((tpw,), jnp.int32),
            pltpu.VMEM((tpw,), jnp.int32),
        ],
    )(functools.partial(_sc_route_body, tpw))
    return f(lt)


def kernel(x, W):
    B, S, _ = x.shape
    N = B * S
    x2 = x.reshape(N, D)
    lt = _tc_logits(x2, W, N, TPW, 0)
    wT, tw1, tw2, te1, te2 = _sc_route(lt, TPW)
    weights = wT.transpose(0, 2, 1).reshape(B, S, E)
    topw = jnp.stack([tw1.reshape(N), tw2.reshape(N)], axis=-1).reshape(B, S, 2)
    tope = jnp.stack([te1.reshape(N), te2.reshape(N)], axis=-1).reshape(B, S, 2)
    return weights, topw, tope

# --- scband reference (transcript-rebuilt; emitter-appended) ---
"""Pipeline reference for scband-dbrx-router-65816078844559 (READ-ONLY COPY).

The authoritative reference and input builder live on the scoring server;
editing this copy changes nothing except your own understanding.
"""

import jax, jax.numpy as jnp
import numpy as np

B, S, D_MODEL = 4, 4096, 2048
NUM_EXPERTS = 16
TOP_K = 2
NORM_ORD = 1  # moe_normalize_expert_weights = 1 (L1 norm)


def setup_inputs(seed: int = 0) -> dict:
    key = jax.random.key(seed)
    kx, kw = jax.random.split(key)
    x = jax.random.normal(kx, (B, S, D_MODEL), dtype=jnp.float32)
    # router linear kernel, flax convention: [in_features, out_features]
    W = jax.random.normal(kw, (D_MODEL, NUM_EXPERTS), dtype=jnp.float32) * (1.0 / np.sqrt(D_MODEL))
    return {"x": x, "W": W}


def reference(x, W):
    # deterministic=True path: no jitter
    logits = jnp.einsum('bsd,de->bse', x.astype(jnp.float32), W.astype(jnp.float32))
    weights = jax.nn.softmax(logits.astype(jnp.float32), axis=-1)
    top_weights, top_experts = jax.lax.top_k(weights, TOP_K)
    # moe_normalize_expert_weights = 1 -> L1 normalization over top-k weights
    top_weights = top_weights / jnp.linalg.norm(top_weights, ord=NORM_ORD, axis=-1, keepdims=True)
    # uniform_expert_assignment = False -> keep router assignment
    weights = weights.astype(x.dtype)
    top_weights = top_weights.astype(x.dtype)
    return (weights, top_weights, top_experts)

if __name__ == "__main__":
    import jax
    _d = setup_inputs()
    print(jax.jit(kernel)(*tuple(_d.values())))

</pallas_src>

<mosaic_0001>
#map = affine_map<(d0, d1) -> (0, 0, 0)>
#map1 = affine_map<(d0, d1) -> (0, 0)>
module attributes {stable_mosaic.version = 14 : i64} {
  func.func @_sc_route_body(%arg0: i32, %arg1: i32, %arg2: memref<32x16x512xf32, #tpu.memory_space<hbm>>, %arg3: memref<32x16x512xf32, #tpu.memory_space<hbm>>, %arg4: memref<32x512xf32, #tpu.memory_space<hbm>>, %arg5: memref<32x512xf32, #tpu.memory_space<hbm>>, %arg6: memref<32x512xi32, #tpu.memory_space<hbm>>, %arg7: memref<32x512xi32, #tpu.memory_space<hbm>>, %arg8: memref<16x512xf32, #tpu.memory_space<vmem>>, %arg9: memref<16x512xf32, #tpu.memory_space<vmem>>, %arg10: memref<512xf32, #tpu.memory_space<vmem>>, %arg11: memref<512xf32, #tpu.memory_space<vmem>>, %arg12: memref<512xi32, #tpu.memory_space<vmem>>, %arg13: memref<512xi32, #tpu.memory_space<vmem>>) attributes {dimension_semantics = [#tpu.dimension_semantics<core_parallel>, #tpu.dimension_semantics<subcore_parallel>], iteration_bounds = array<i64: 2, 16>, scalar_prefetch = 0 : i64, scratch_operands = 6 : i64, tpu.core_type = #tpu.core_type<sc_vector_subcore>, window_params = [{transform_indices = #map}, {transform_indices = #map}, {transform_indices = #map1}, {transform_indices = #map1}, {transform_indices = #map1}, {transform_indices = #map1}]} {
    %mul3A = arith.constant 2 : i32
    %mul3A_0 = arith.muli %arg1, %mul3A : i32
    %add3A = arith.addi %mul3A_0, %arg0 : i32
    "tpu.region"() ({
      %run_scoped3A = tpu.sem_alloc : memref<!tpu.dma_semaphore, #tpu.memory_space<semaphore_mem>>
      %dma_start3A = arith.constant 0 : i32
      %dma_start3A_7 = arith.constant 0 : i32
      %dma_start3A_8 = tpu.memref_slice %arg2[%add3A, %dma_start3A, %dma_start3A_7] : memref<32x16x512xf32, #tpu.memory_space<hbm>> -> memref<1x16x512xf32, #tpu.memory_space<hbm>>
      %dma_start3A_9 = tpu.memref_squeeze %dma_start3A_8 : memref<1x16x512xf32, #tpu.memory_space<hbm>> -> memref<16x512xf32, #tpu.memory_space<hbm>>
      %dma_start3A_10 = arith.constant 0 : i32
      %dma_start3A_11 = arith.constant 0 : i32
      %dma_start3A_12 = tpu.memref_slice %arg2[%add3A, %dma_start3A_10, %dma_start3A_11] : memref<32x16x512xf32, #tpu.memory_space<hbm>> -> memref<1x16x512xf32, #tpu.memory_space<hbm>>
      %dma_start3A_13 = tpu.memref_squeeze %dma_start3A_12 : memref<1x16x512xf32, #tpu.memory_space<hbm>> -> memref<16x512xf32, #tpu.memory_space<hbm>>
      tpu.enqueue_dma source(%dma_start3A_13 : memref<16x512xf32, #tpu.memory_space<hbm>>) target(%arg8 : memref<16x512xf32, #tpu.memory_space<vmem>>) target_semaphore(%run_scoped3A : memref<!tpu.dma_semaphore, #tpu.memory_space<semaphore_mem>>)
      %dma_wait3A = arith.constant 0 : i32
      %dma_wait3A_14 = arith.constant 0 : i32
      %dma_wait3A_15 = tpu.memref_slice %arg2[%add3A, %dma_wait3A, %dma_wait3A_14] : memref<32x16x512xf32, #tpu.memory_space<hbm>> -> memref<1x16x512xf32, #tpu.memory_space<hbm>>
      %dma_wait3A_16 = tpu.memref_squeeze %dma_wait3A_15 : memref<1x16x512xf32, #tpu.memory_space<hbm>> -> memref<16x512xf32, #tpu.memory_space<hbm>>
      %dma_wait3A_17 = arith.constant 0 : i32
      %dma_wait3A_18 = arith.constant 0 : i32
      %dma_wait3A_19 = tpu.memref_slice %arg2[%add3A, %dma_wait3A_17, %dma_wait3A_18] : memref<32x16x512xf32, #tpu.memory_space<hbm>> -> memref<1x16x512xf32, #tpu.memory_space<hbm>>
      %dma_wait3A_20 = tpu.memref_squeeze %dma_wait3A_19 : memref<1x16x512xf32, #tpu.memory_space<hbm>> -> memref<16x512xf32, #tpu.memory_space<hbm>>
      tpu.wait_dma2 semaphore(%run_scoped3A : memref<!tpu.dma_semaphore, #tpu.memory_space<semaphore_mem>>) src(%dma_wait3A_20 : memref<16x512xf32, #tpu.memory_space<hbm>>) dst(%arg8 : memref<16x512xf32, #tpu.memory_space<vmem>>)
      tpu.yield
    }) : () -> ()
    %scan3A = arith.constant 0 : i32
    %scan3A_1 = arith.constant 0 : i32
    %scan3A_2 = arith.constant 32 : i32
    %scan3A_3 = arith.addi %scan3A_1, %scan3A_2 : i32
    %scan3A_4 = arith.constant 1 : i32
    %scan3A_5 = scf.for %scan3A_7 = %scan3A_1 to %scan3A_3 step %scan3A_4 iter_args(%scan3A_8 = %scan3A) -> (i32)  : i32 {
      %mul3A_9 = arith.constant 16 : i32
      %mul3A_10 = arith.muli %scan3A_7, %mul3A_9 : i32
      %get3A = arith.constant 0 : i32
      %get3A_11 = arith.index_cast %get3A : i32 to index
      %get3A_12 = arith.index_cast %mul3A_10 : i32 to index
      %get3A_13 = tpu.vector_load %arg8[%get3A_11, %get3A_12] {strides = array<i32>} : memref<16x512xf32, #tpu.memory_space<vmem>>, vector<1x16xf32>,
      %get3A_14 = vector.shape_cast %get3A_13 : vector<1x16xf32> to vector<16xf32>
      %get3A_15 = arith.constant 1 : i32
      %get3A_16 = arith.index_cast %get3A_15 : i32 to index
      %get3A_17 = arith.index_cast %mul3A_10 : i32 to index
      %get3A_18 = tpu.vector_load %arg8[%get3A_16, %get3A_17] {strides = array<i32>} : memref<16x512xf32, #tpu.memory_space<vmem>>, vector<1x16xf32>,
      %get3A_19 = vector.shape_cast %get3A_18 : vector<1x16xf32> to vector<16xf32>
      %get3A_20 = arith.constant 2 : i32
      %get3A_21 = arith.index_cast %get3A_20 : i32 to index
      %get3A_22 = arith.index_cast %mul3A_10 : i32 to index
      %get3A_23 = tpu.vector_load %arg8[%get3A_21, %get3A_22] {strides = array<i32>} : memref<16x512xf32, #tpu.memory_space<vmem>>, vector<1x16xf32>,
      %get3A_24 = vector.shape_cast %get3A_23 : vector<1x16xf32> to vector<16xf32>
      %get3A_25 = arith.constant 3 : i32
      %get3A_26 = arith.index_cast %get3A_25 : i32 to index
      %get3A_27 = arith.index_cast %mul3A_10 : i32 to index
      %get3A_28 = tpu.vector_load %arg8[%get3A_26, %get3A_27] {strides = array<i32>} : memref<16x512xf32, #tpu.memory_space<vmem>>, vector<1x16xf32>,
      %get3A_29 = vector.shape_cast %get3A_28 : vector<1x16xf32> to vector<16xf32>
      %get3A_30 = arith.constant 4 : i32
      %get3A_31 = arith.index_cast %get3A_30 : i32 to index
      %get3A_32 = arith.index_cast %mul3A_10 : i32 to index
      %get3A_33 = tpu.vector_load %arg8[%get3A_31, %get3A_32] {strides = array<i32>} : memref<16x512xf32, #tpu.memory_space<vmem>>, vector<1x16xf32>,
      %get3A_34 = vector.shape_cast %get3A_33 : vector<1x16xf32> to vector<16xf32>
      %get3A_35 = arith.constant 5 : i32
      %get3A_36 = arith.index_cast %get3A_35 : i32 to index
      %get3A_37 = arith.index_cast %mul3A_10 : i32 to index
      %get3A_38 = tpu.vector_load %arg8[%get3A_36, %get3A_37] {strides = array<i32>} : memref<16x512xf32, #tpu.memory_space<vmem>>, vector<1x16xf32>,
      %get3A_39 = vector.shape_cast %get3A_38 : vector<1x16xf32> to vector<16xf32>
      %get3A_40 = arith.constant 6 : i32
      %get3A_41 = arith.index_cast %get3A_40 : i32 to index
      %get3A_42 = arith.index_cast %mul3A_10 : i32 to index
      %get3A_43 = tpu.vector_load %arg8[%get3A_41, %get3A_42] {strides = array<i32>} : memref<16x512xf32, #tpu.memory_space<vmem>>, vector<1x16xf32>,
      %get3A_44 = vector.shape_cast %get3A_43 : vector<1x16xf32> to vector<16xf32>
      %get3A_45 = arith.constant 7 : i32
      %get3A_46 = arith.index_cast %get3A_45 : i32 to index
      %get3A_47 = arith.index_cast %mul3A_10 : i32 to index
      %get3A_48 = tpu.vector_load %arg8[%get3A_46, %get3A_47] {strides = array<i32>} : memref<16x512xf32, #tpu.memory_space<vmem>>, vector<1x16xf32>,
      %get3A_49 = vector.shape_cast %get3A_48 : vector<1x16xf32> to vector<16xf32>
      %get3A_50 = arith.constant 8 : i32
      %get3A_51 = arith.index_cast %get3A_50 : i32 to index
      %get3A_52 = arith.index_cast %mul3A_10 : i32 to index
      %get3A_53 = tpu.vector_load %arg8[%get3A_51, %get3A_52] {strides = array<i32>} : memref<16x512xf32, #tpu.memory_space<vmem>>, vector<1x16xf32>,
      %get3A_54 = vector.shape_cast %get3A_53 : vector<1x16xf32> to vector<16xf32>
      %get3A_55 = arith.constant 9 : i32
      %get3A_56 = arith.index_cast %get3A_55 : i32 to index
      %get3A_57 = arith.index_cast %mul3A_10 : i32 to index
      %get3A_58 = tpu.vector_load %arg8[%get3A_56, %get3A_57] {strides = array<i32>} : memref<16x512xf32, #tpu.memory_space<vmem>>, vector<1x16xf32>,
      %get3A_59 = vector.shape_cast %get3A_58 : vector<1x16xf32> to vector<16xf32>
      %get3A_60 = arith.constant 10 : i32
      %get3A_61 = arith.index_cast %get3A_60 : i32 to index
      %get3A_62 = arith.index_cast %mul3A_10 : i32 to index
      %get3A_63 = tpu.vector_load %arg8[%get3A_61, %get3A_62] {strides = array<i32>} : memref<16x512xf32, #tpu.memory_space<vmem>>, vector<1x16xf32>,
      %get3A_64 = vector.shape_cast %get3A_63 : vector<1x16xf32> to vector<16xf32>
      %get3A_65 = arith.constant 11 : i32
      %get3A_66 = arith.index_cast %get3A_65 : i32 to index
      %get3A_67 = arith.index_cast %mul3A_10 : i32 to index
      %get3A_68 = tpu.vector_load %arg8[%get3A_66, %get3A_67] {strides = array<i32>} : memref<16x512xf32, #tpu.memory_space<vmem>>, vector<1x16xf32>,
      %get3A_69 = vector.shape_cast %get3A_68 : vector<1x16xf32> to vector<16xf32>
      %get3A_70 = arith.constant 12 : i32
      %get3A_71 = arith.index_cast %get3A_70 : i32 to index
      %get3A_72 = arith.index_cast %mul3A_10 : i32 to index
      %get3A_73 = tpu.vector_load %arg8[%get3A_71, %get3A_72] {strides = array<i32>} : memref<16x512xf32, #tpu.memory_space<vmem>>, vector<1x16xf32>,
      %get3A_74 = vector.shape_cast %get3A_73 : vector<1x16xf32> to vector<16xf32>
      %get3A_75 = arith.constant 13 : i32
      %get3A_76 = arith.index_cast %get3A_75 : i32 to index
      %get3A_77 = arith.index_cast %mul3A_10 : i32 to index
      %get3A_78 = tpu.vector_load %arg8[%get3A_76, %get3A_77] {strides = array<i32>} : memref<16x512xf32, #tpu.memory_space<vmem>>, vector<1x16xf32>,
      %get3A_79 = vector.shape_cast %get3A_78 : vector<1x16xf32> to vector<16xf32>
      %get3A_80 = arith.constant 14 : i32
      %get3A_81 = arith.index_cast %get3A_80 : i32 to index
      %get3A_82 = arith.index_cast %mul3A_10 : i32 to index
      %get3A_83 = tpu.vector_load %arg8[%get3A_81, %get3A_82] {strides = array<i32>} : memref<16x512xf32, #tpu.memory_space<vmem>>, vector<1x16xf32>,
      %get3A_84 = vector.shape_cast %get3A_83 : vector<1x16xf32> to vector<16xf32>
      %get3A_85 = arith.constant 15 : i32
      %get3A_86 = arith.index_cast %get3A_85 : i32 to index
      %get3A_87 = arith.index_cast %mul3A_10 : i32 to index
      %get3A_88 = tpu.vector_load %arg8[%get3A_86, %get3A_87] {strides = array<i32>} : memref<16x512xf32, #tpu.memory_space<vmem>>, vector<1x16xf32>,
      %get3A_89 = vector.shape_cast %get3A_88 : vector<1x16xf32> to vector<16xf32>
      %broadcast_in_dim3A = arith.constant 0 : i32
      %broadcast_in_dim3A_90 = vector.broadcast %broadcast_in_dim3A : i32 to vector<16xi32>
      %gt3A = arith.cmpf ogt, %get3A_19, %get3A_14 : vector<16xf32>
      %select_n3A = arith.select %gt3A, %get3A_19, %get3A_14 : vector<16xi1>, vector<16xf32>
      %jit3A = arith.constant 1 : i32
      %broadcast_in_dim3A_91 = vector.broadcast %jit3A : i32 to vector<16xi32>
      %select_n3A_92 = arith.select %gt3A, %broadcast_in_dim3A_91, %broadcast_in_dim3A_90 : vector<16xi1>, vector<16xi32>
      %gt3A_93 = arith.cmpf ogt, %get3A_24, %select_n3A : vector<16xf32>
      %select_n3A_94 = arith.select %gt3A_93, %get3A_24, %select_n3A : vector<16xi1>, vector<16xf32>
      %jit3A_95 = arith.constant 2 : i32
      %broadcast_in_dim3A_96 = vector.broadcast %jit3A_95 : i32 to vector<16xi32>
      %select_n3A_97 = arith.select %gt3A_93, %broadcast_in_dim3A_96, %select_n3A_92 : vector<16xi1>, vector<16xi32>
      %gt3A_98 = arith.cmpf ogt, %get3A_29, %select_n3A_94 : vector<16xf32>
      %select_n3A_99 = arith.select %gt3A_98, %get3A_29, %select_n3A_94 : vector<16xi1>, vector<16xf32>
      %jit3A_100 = arith.constant 3 : i32
      %broadcast_in_dim3A_101 = vector.broadcast %jit3A_100 : i32 to vector<16xi32>
      %select_n3A_102 = arith.select %gt3A_98, %broadcast_in_dim3A_101, %select_n3A_97 : vector<16xi1>, vector<16xi32>
      %gt3A_103 = arith.cmpf ogt, %get3A_34, %select_n3A_99 : vector<16xf32>
      %select_n3A_104 = arith.select %gt3A_103, %get3A_34, %select_n3A_99 : vector<16xi1>, vector<16xf32>
      %jit3A_105 = arith.constant 4 : i32
      %broadcast_in_dim3A_106 = vector.broadcast %jit3A_105 : i32 to vector<16xi32>
      %select_n3A_107 = arith.select %gt3A_103, %broadcast_in_dim3A_106, %select_n3A_102 : vector<16xi1>, vector<16xi32>
      %gt3A_108 = arith.cmpf ogt, %get3A_39, %select_n3A_104 : vector<16xf32>
      %select_n3A_109 = arith.select %gt3A_108, %get3A_39, %select_n3A_104 : vector<16xi1>, vector<16xf32>
      %jit3A_110 = arith.constant 5 : i32
      %broadcast_in_dim3A_111 = vector.broadcast %jit3A_110 : i32 to vector<16xi32>
      %select_n3A_112 = arith.select %gt3A_108, %broadcast_in_dim3A_111, %select_n3A_107 : vector<16xi1>, vector<16xi32>
      %gt3A_113 = arith.cmpf ogt, %get3A_44, %select_n3A_109 : vector<16xf32>
      %select_n3A_114 = arith.select %gt3A_113, %get3A_44, %select_n3A_109 : vector<16xi1>, vector<16xf32>
      %jit3A_115 = arith.constant 6 : i32
      %broadcast_in_dim3A_116 = vector.broadcast %jit3A_115 : i32 to vector<16xi32>
      %select_n3A_117 = arith.select %gt3A_113, %broadcast_in_dim3A_116, %select_n3A_112 : vector<16xi1>, vector<16xi32>
      %gt3A_118 = arith.cmpf ogt, %get3A_49, %select_n3A_114 : vector<16xf32>
      %select_n3A_119 = arith.select %gt3A_118, %get3A_49, %select_n3A_114 : vector<16xi1>, vector<16xf32>
      %jit3A_120 = arith.constant 7 : i32
      %broadcast_in_dim3A_121 = vector.broadcast %jit3A_120 : i32 to vector<16xi32>
      %select_n3A_122 = arith.select %gt3A_118, %broadcast_in_dim3A_121, %select_n3A_117 : vector<16xi1>, vector<16xi32>
      %gt3A_123 = arith.cmpf ogt, %get3A_54, %select_n3A_119 : vector<16xf32>
      %select_n3A_124 = arith.select %gt3A_123, %get3A_54, %select_n3A_119 : vector<16xi1>, vector<16xf32>
      %jit3A_125 = arith.constant 8 : i32
      %broadcast_in_dim3A_126 = vector.broadcast %jit3A_125 : i32 to vector<16xi32>
      %select_n3A_127 = arith.select %gt3A_123, %broadcast_in_dim3A_126, %select_n3A_122 : vector<16xi1>, vector<16xi32>
      %gt3A_128 = arith.cmpf ogt, %get3A_59, %select_n3A_124 : vector<16xf32>
      %select_n3A_129 = arith.select %gt3A_128, %get3A_59, %select_n3A_124 : vector<16xi1>, vector<16xf32>
      %jit3A_130 = arith.constant 9 : i32
      %broadcast_in_dim3A_131 = vector.broadcast %jit3A_130 : i32 to vector<16xi32>
      %select_n3A_132 = arith.select %gt3A_128, %broadcast_in_dim3A_131, %select_n3A_127 : vector<16xi1>, vector<16xi32>
      %gt3A_133 = arith.cmpf ogt, %get3A_64, %select_n3A_129 : vector<16xf32>
      %select_n3A_134 = arith.select %gt3A_133, %get3A_64, %select_n3A_129 : vector<16xi1>, vector<16xf32>
      %jit3A_135 = arith.constant 10 : i32
      %broadcast_in_dim3A_136 = vector.broadcast %jit3A_135 : i32 to vector<16xi32>
      %select_n3A_137 = arith.select %gt3A_133, %broadcast_in_dim3A_136, %select_n3A_132 : vector<16xi1>, vector<16xi32>
      %gt3A_138 = arith.cmpf ogt, %get3A_69, %select_n3A_134 : vector<16xf32>
      %select_n3A_139 = arith.select %gt3A_138, %get3A_69, %select_n3A_134 : vector<16xi1>, vector<16xf32>
      %jit3A_140 = arith.constant 11 : i32
      %broadcast_in_dim3A_141 = vector.broadcast %jit3A_140 : i32 to vector<16xi32>
      %select_n3A_142 = arith.select %gt3A_138, %broadcast_in_dim3A_141, %select_n3A_137 : vector<16xi1>, vector<16xi32>
      %gt3A_143 = arith.cmpf ogt, %get3A_74, %select_n3A_139 : vector<16xf32>
      %select_n3A_144 = arith.select %gt3A_143, %get3A_74, %select_n3A_139 : vector<16xi1>, vector<16xf32>
      %jit3A_145 = arith.constant 12 : i32
      %broadcast_in_dim3A_146 = vector.broadcast %jit3A_145 : i32 to vector<16xi32>
      %select_n3A_147 = arith.select %gt3A_143, %broadcast_in_dim3A_146, %select_n3A_142 : vector<16xi1>, vector<16xi32>
      %gt3A_148 = arith.cmpf ogt, %get3A_79, %select_n3A_144 : vector<16xf32>
      %select_n3A_149 = arith.select %gt3A_148, %get3A_79, %select_n3A_144 : vector<16xi1>, vector<16xf32>
      %jit3A_150 = arith.constant 13 : i32
      %broadcast_in_dim3A_151 = vector.broadcast %jit3A_150 : i32 to vector<16xi32>
      %select_n3A_152 = arith.select %gt3A_148, %broadcast_in_dim3A_151, %select_n3A_147 : vector<16xi1>, vector<16xi32>
      %gt3A_153 = arith.cmpf ogt, %get3A_84, %select_n3A_149 : vector<16xf32>
      %select_n3A_154 = arith.select %gt3A_153, %get3A_84, %select_n3A_149 : vector<16xi1>, vector<16xf32>
      %jit3A_155 = arith.constant 14 : i32
      %broadcast_in_dim3A_156 = vector.broadcast %jit3A_155 : i32 to vector<16xi32>
      %select_n3A_157 = arith.select %gt3A_153, %broadcast_in_dim3A_156, %select_n3A_152 : vector<16xi1>, vector<16xi32>
      %gt3A_158 = arith.cmpf ogt, %get3A_89, %select_n3A_154 : vector<16xf32>
      %select_n3A_159 = arith.select %gt3A_158, %get3A_89, %select_n3A_154 : vector<16xi1>, vector<16xf32>
      %jit3A_160 = arith.constant 15 : i32
      %broadcast_in_dim3A_161 = vector.broadcast %jit3A_160 : i32 to vector<16xi32>
      %select_n3A_162 = arith.select %gt3A_158, %broadcast_in_dim3A_161, %select_n3A_157 : vector<16xi1>, vector<16xi32>
      %broadcast_in_dim3A_163 = arith.constant 0xFF800000 : f32
      %broadcast_in_dim3A_164 = vector.broadcast %broadcast_in_dim3A_163 : f32 to vector<16xf32>
      %broadcast_in_dim3A_165 = arith.constant 0 : i32
      %broadcast_in_dim3A_166 = vector.broadcast %broadcast_in_dim3A_165 : i32 to vector<16xi32>
      %broadcast_in_dim3A_167 = arith.constant 0.000000e+00 : f32
      %broadcast_in_dim3A_168 = vector.broadcast %broadcast_in_dim3A_167 : f32 to vector<16xf32>
      %sub3A = arith.subf %get3A_14, %select_n3A_159 : vector<16xf32>
      %exp3A = math.exp %sub3A : vector<16xf32>
      %add3A_169 = arith.addf %broadcast_in_dim3A_168, %exp3A : vector<16xf32>
      %eq3A = arith.constant 0 : i32
      %eq3A_170 = vector.broadcast %eq3A : i32 to vector<16xi32>
      %eq3A_171 = arith.cmpi eq, %select_n3A_162, %eq3A_170 : vector<16xi32>
      %jit3A_172 = arith.constant 0xFF800000 : f32
      %broadcast_in_dim3A_173 = vector.broadcast %jit3A_172 : f32 to vector<16xf32>
      %select_n3A_174 = arith.select %eq3A_171, %broadcast_in_dim3A_173, %get3A_14 : vector<16xi1>, vector<16xf32>
      %gt3A_175 = arith.cmpf ogt, %select_n3A_174, %broadcast_in_dim3A_164 : vector<16xf32>
      %select_n3A_176 = arith.select %gt3A_175, %select_n3A_174, %broadcast_in_dim3A_164 : vector<16xi1>, vector<16xf32>
      %jit3A_177 = arith.constant 0 : i32
      %broadcast_in_dim3A_178 = vector.broadcast %jit3A_177 : i32 to vector<16xi32>
      %select_n3A_179 = arith.select %gt3A_175, %broadcast_in_dim3A_178, %broadcast_in_dim3A_166 : vector<16xi1>, vector<16xi32>
      %sub3A_180 = arith.subf %get3A_19, %select_n3A_159 : vector<16xf32>
      %exp3A_181 = math.exp %sub3A_180 : vector<16xf32>
      %add3A_182 = arith.addf %add3A_169, %exp3A_181 : vector<16xf32>
      %eq3A_183 = arith.constant 1 : i32
      %eq3A_184 = vector.broadcast %eq3A_183 : i32 to vector<16xi32>
      %eq3A_185 = arith.cmpi eq, %select_n3A_162, %eq3A_184 : vector<16xi32>
      %jit3A_186 = arith.constant 0xFF800000 : f32
      %broadcast_in_dim3A_187 = vector.broadcast %jit3A_186 : f32 to vector<16xf32>
      %select_n3A_188 = arith.select %eq3A_185, %broadcast_in_dim3A_187, %get3A_19 : vector<16xi1>, vector<16xf32>
      %gt3A_189 = arith.cmpf ogt, %select_n3A_188, %select_n3A_176 : vector<16xf32>
      %select_n3A_190 = arith.select %gt3A_189, %select_n3A_188, %select_n3A_176 : vector<16xi1>, vector<16xf32>
      %jit3A_191 = arith.constant 1 : i32
      %broadcast_in_dim3A_192 = vector.broadcast %jit3A_191 : i32 to vector<16xi32>
      %select_n3A_193 = arith.select %gt3A_189, %broadcast_in_dim3A_192, %select_n3A_179 : vector<16xi1>, vector<16xi32>
      %sub3A_194 = arith.subf %get3A_24, %select_n3A_159 : vector<16xf32>
      %exp3A_195 = math.exp %sub3A_194 : vector<16xf32>
      %add3A_196 = arith.addf %add3A_182, %exp3A_195 : vector<16xf32>
      %eq3A_197 = arith.constant 2 : i32
      %eq3A_198 = vector.broadcast %eq3A_197 : i32 to vector<16xi32>
      %eq3A_199 = arith.cmpi eq, %select_n3A_162, %eq3A_198 : vector<16xi32>
      %jit3A_200 = arith.constant 0xFF800000 : f32
      %broadcast_in_dim3A_201 = vector.broadcast %jit3A_200 : f32 to vector<16xf32>
      %select_n3A_202 = arith.select %eq3A_199, %broadcast_in_dim3A_201, %get3A_24 : vector<16xi1>, vector<16xf32>
      %gt3A_203 = arith.cmpf ogt, %select_n3A_202, %select_n3A_190 : vector<16xf32>
      %select_n3A_204 = arith.select %gt3A_203, %select_n3A_202, %select_n3A_190 : vector<16xi1>, vector<16xf32>
      %jit3A_205 = arith.constant 2 : i32
      %broadcast_in_dim3A_206 = vector.broadcast %jit3A_205 : i32 to vector<16xi32>
      %select_n3A_207 = arith.select %gt3A_203, %broadcast_in_dim3A_206, %select_n3A_193 : vector<16xi1>, vector<16xi32>
      %sub3A_208 = arith.subf %get3A_29, %select_n3A_159 : vector<16xf32>
      %exp3A_209 = math.exp %sub3A_208 : vector<16xf32>
      %add3A_210 = arith.addf %add3A_196, %exp3A_209 : vector<16xf32>
      %eq3A_211 = arith.constant 3 : i32
      %eq3A_212 = vector.broadcast %eq3A_211 : i32 to vector<16xi32>
      %eq3A_213 = arith.cmpi eq, %select_n3A_162, %eq3A_212 : vector<16xi32>
      %jit3A_214 = arith.constant 0xFF800000 : f32
      %broadcast_in_dim3A_215 = vector.broadcast %jit3A_214 : f32 to vector<16xf32>
      %select_n3A_216 = arith.select %eq3A_213, %broadcast_in_dim3A_215, %get3A_29 : vector<16xi1>, vector<16xf32>
      %gt3A_217 = arith.cmpf ogt, %select_n3A_216, %select_n3A_204 : vector<16xf32>
      %select_n3A_218 = arith.select %gt3A_217, %select_n3A_216, %select_n3A_204 : vector<16xi1>, vector<16xf32>
      %jit3A_219 = arith.constant 3 : i32
      %broadcast_in_dim3A_220 = vector.broadcast %jit3A_219 : i32 to vector<16xi32>
      %select_n3A_221 = arith.select %gt3A_217, %broadcast_in_dim3A_220, %select_n3A_207 : vector<16xi1>, vector<16xi32>
      %sub3A_222 = arith.subf %get3A_34, %select_n3A_159 : vector<16xf32>
      %exp3A_223 = math.exp %sub3A_222 : vector<16xf32>
      %add3A_224 = arith.addf %add3A_210, %exp3A_223 : vector<16xf32>
      %eq3A_225 = arith.constant 4 : i32
      %eq3A_226 = vector.broadcast %eq3A_225 : i32 to vector<16xi32>
      %eq3A_227 = arith.cmpi eq, %select_n3A_162, %eq3A_226 : vector<16xi32>
      %jit3A_228 = arith.constant 0xFF800000 : f32
      %broadcast_in_dim3A_229 = vector.broadcast %jit3A_228 : f32 to vector<16xf32>
      %select_n3A_230 = arith.select %eq3A_227, %broadcast_in_dim3A_229, %get3A_34 : vector<16xi1>, vector<16xf32>
      %gt3A_231 = arith.cmpf ogt, %select_n3A_230, %select_n3A_218 : vector<16xf32>
      %select_n3A_232 = arith.select %gt3A_231, %select_n3A_230, %select_n3A_218 : vector<16xi1>, vector<16xf32>
      %jit3A_233 = arith.constant 4 : i32
      %broadcast_in_dim3A_234 = vector.broadcast %jit3A_233 : i32 to vector<16xi32>
      %select_n3A_235 = arith.select %gt3A_231, %broadcast_in_dim3A_234, %select_n3A_221 : vector<16xi1>, vector<16xi32>
      %sub3A_236 = arith.subf %get3A_39, %select_n3A_159 : vector<16xf32>
      %exp3A_237 = math.exp %sub3A_236 : vector<16xf32>
      %add3A_238 = arith.addf %add3A_224, %exp3A_237 : vector<16xf32>
      %eq3A_239 = arith.constant 5 : i32
      %eq3A_240 = vector.broadcast %eq3A_239 : i32 to vector<16xi32>
      %eq3A_241 = arith.cmpi eq, %select_n3A_162, %eq3A_240 : vector<16xi32>
      %jit3A_242 = arith.constant 0xFF800000 : f32
      %broadcast_in_dim3A_243 = vector.broadcast %jit3A_242 : f32 to vector<16xf32>
      %select_n3A_244 = arith.select %eq3A_241, %broadcast_in_dim3A_243, %get3A_39 : vector<16xi1>, vector<16xf32>
      %gt3A_245 = arith.cmpf ogt, %select_n3A_244, %select_n3A_232 : vector<16xf32>
      %select_n3A_246 = arith.select %gt3A_245, %select_n3A_244, %select_n3A_232 : vector<16xi1>, vector<16xf32>
      %jit3A_247 = arith.constant 5 : i32
      %broadcast_in_dim3A_248 = vector.broadcast %jit3A_247 : i32 to vector<16xi32>
      %select_n3A_249 = arith.select %gt3A_245, %broadcast_in_dim3A_248, %select_n3A_235 : vector<16xi1>, vector<16xi32>
      %sub3A_250 = arith.subf %get3A_44, %select_n3A_159 : vector<16xf32>
      %exp3A_251 = math.exp %sub3A_250 : vector<16xf32>
      %add3A_252 = arith.addf %add3A_238, %exp3A_251 : vector<16xf32>
      %eq3A_253 = arith.constant 6 : i32
      %eq3A_254 = vector.broadcast %eq3A_253 : i32 to vector<16xi32>
      %eq3A_255 = arith.cmpi eq, %select_n3A_162, %eq3A_254 : vector<16xi32>
      %jit3A_256 = arith.constant 0xFF800000 : f32
      %broadcast_in_dim3A_257 = vector.broadcast %jit3A_256 : f32 to vector<16xf32>
      %select_n3A_258 = arith.select %eq3A_255, %broadcast_in_dim3A_257, %get3A_44 : vector<16xi1>, vector<16xf32>
      %gt3A_259 = arith.cmpf ogt, %select_n3A_258, %select_n3A_246 : vector<16xf32>
      %select_n3A_260 = arith.select %gt3A_259, %select_n3A_258, %select_n3A_246 : vector<16xi1>, vector<16xf32>
      %jit3A_261 = arith.constant 6 : i32
      %broadcast_in_dim3A_262 = vector.broadcast %jit3A_261 : i32 to vector<16xi32>
      %select_n3A_263 = arith.select %gt3A_259, %broadcast_in_dim3A_262, %select_n3A_249 : vector<16xi1>, vector<16xi32>
      %sub3A_264 = arith.subf %get3A_49, %select_n3A_159 : vector<16xf32>
      %exp3A_265 = math.exp %sub3A_264 : vector<16xf32>
      %add3A_266 = arith.addf %add3A_252, %exp3A_265 : vector<16xf32>
      %eq3A_267 = arith.constant 7 : i32
      %eq3A_268 = vector.broadcast %eq3A_267 : i32 to vector<16xi32>
      %eq3A_269 = arith.cmpi eq, %select_n3A_162, %eq3A_268 : vector<16xi32>
      %jit3A_270 = arith.constant 0xFF800000 : f32
      %broadcast_in_dim3A_271 = vector.broadcast %jit3A_270 : f32 to vector<16xf32>
      %select_n3A_272 = arith.select %eq3A_269, %broadcast_in_dim3A_271, %get3A_49 : vector<16xi1>, vector<16xf32>
      %gt3A_273 = arith.cmpf ogt, %select_n3A_272, %select_n3A_260 : vector<16xf32>
      %select_n3A_274 = arith.select %gt3A_273, %select_n3A_272, %select_n3A_260 : vector<16xi1>, vector<16xf32>
      %jit3A_275 = arith.constant 7 : i32
      %broadcast_in_dim3A_276 = vector.broadcast %jit3A_275 : i32 to vector<16xi32>
      %select_n3A_277 = arith.select %gt3A_273, %broadcast_in_dim3A_276, %select_n3A_263 : vector<16xi1>, vector<16xi32>
      %sub3A_278 = arith.subf %get3A_54, %select_n3A_159 : vector<16xf32>
      %exp3A_279 = math.exp %sub3A_278 : vector<16xf32>
      %add3A_280 = arith.addf %add3A_266, %exp3A_279 : vector<16xf32>
      %eq3A_281 = arith.constant 8 : i32
      %eq3A_282 = vector.broadcast %eq3A_281 : i32 to vector<16xi32>
      %eq3A_283 = arith.cmpi eq, %select_n3A_162, %eq3A_282 : vector<16xi32>
      %jit3A_284 = arith.constant 0xFF800000 : f32
      %broadcast_in_dim3A_285 = vector.broadcast %jit3A_284 : f32 to vector<16xf32>
      %select_n3A_286 = arith.select %eq3A_283, %broadcast_in_dim3A_285, %get3A_54 : vector<16xi1>, vector<16xf32>
      %gt3A_287 = arith.cmpf ogt, %select_n3A_286, %select_n3A_274 : vector<16xf32>
      %select_n3A_288 = arith.select %gt3A_287, %select_n3A_286, %select_n3A_274 : vector<16xi1>, vector<16xf32>
      %jit3A_289 = arith.constant 8 : i32
      %broadcast_in_dim3A_290 = vector.broadcast %jit3A_289 : i32 to vector<16xi32>
      %select_n3A_291 = arith.select %gt3A_287, %broadcast_in_dim3A_290, %select_n3A_277 : vector<16xi1>, vector<16xi32>
      %sub3A_292 = arith.subf %get3A_59, %select_n3A_159 : vector<16xf32>
      %exp3A_293 = math.exp %sub3A_292 : vector<16xf32>
      %add3A_294 = arith.addf %add3A_280, %exp3A_293 : vector<16xf32>
      %eq3A_295 = arith.constant 9 : i32
      %eq3A_296 = vector.broadcast %eq3A_295 : i32 to vector<16xi32>
      %eq3A_297 = arith.cmpi eq, %select_n3A_162, %eq3A_296 : vector<16xi32>
      %jit3A_298 = arith.constant 0xFF800000 : f32
      %broadcast_in_dim3A_299 = vector.broadcast %jit3A_298 : f32 to vector<16xf32>
      %select_n3A_300 = arith.select %eq3A_297, %broadcast_in_dim3A_299, %get3A_59 : vector<16xi1>, vector<16xf32>
      %gt3A_301 = arith.cmpf ogt, %select_n3A_300, %select_n3A_288 : vector<16xf32>
      %select_n3A_302 = arith.select %gt3A_301, %select_n3A_300, %select_n3A_288 : vector<16xi1>, vector<16xf32>
      %jit3A_303 = arith.constant 9 : i32
      %broadcast_in_dim3A_304 = vector.broadcast %jit3A_303 : i32 to vector<16xi32>
      %select_n3A_305 = arith.select %gt3A_301, %broadcast_in_dim3A_304, %select_n3A_291 : vector<16xi1>, vector<16xi32>
      %sub3A_306 = arith.subf %get3A_64, %select_n3A_159 : vector<16xf32>
      %exp3A_307 = math.exp %sub3A_306 : vector<16xf32>
      %add3A_308 = arith.addf %add3A_294, %exp3A_307 : vector<16xf32>
      %eq3A_309 = arith.constant 10 : i32
      %eq3A_310 = vector.broadcast %eq3A_309 : i32 to vector<16xi32>
      %eq3A_311 = arith.cmpi eq, %select_n3A_162, %eq3A_310 : vector<16xi32>
      %jit3A_312 = arith.constant 0xFF800000 : f32
      %broadcast_in_dim3A_313 = vector.broadcast %jit3A_312 : f32 to vector<16xf32>
      %select_n3A_314 = arith.select %eq3A_311, %broadcast_in_dim3A_313, %get3A_64 : vector<16xi1>, vector<16xf32>
      %gt3A_315 = arith.cmpf ogt, %select_n3A_314, %select_n3A_302 : vector<16xf32>
      %select_n3A_316 = arith.select %gt3A_315, %select_n3A_314, %select_n3A_302 : vector<16xi1>, vector<16xf32>
      %jit3A_317 = arith.constant 10 : i32
      %broadcast_in_dim3A_318 = vector.broadcast %jit3A_317 : i32 to vector<16xi32>
      %select_n3A_319 = arith.select %gt3A_315, %broadcast_in_dim3A_318, %select_n3A_305 : vector<16xi1>, vector<16xi32>
      %sub3A_320 = arith.subf %get3A_69, %select_n3A_159 : vector<16xf32>
      %exp3A_321 = math.exp %sub3A_320 : vector<16xf32>
      %add3A_322 = arith.addf %add3A_308, %exp3A_321 : vector<16xf32>
      %eq3A_323 = arith.constant 11 : i32
      %eq3A_324 = vector.broadcast %eq3A_323 : i32 to vector<16xi32>
      %eq3A_325 = arith.cmpi eq, %select_n3A_162, %eq3A_324 : vector<16xi32>
      %jit3A_326 = arith.constant 0xFF800000 : f32
      %broadcast_in_dim3A_327 = vector.broadcast %jit3A_326 : f32 to vector<16xf32>
      %select_n3A_328 = arith.select %eq3A_325, %broadcast_in_dim3A_327, %get3A_69 : vector<16xi1>, vector<16xf32>
      %gt3A_329 = arith.cmpf ogt, %select_n3A_328, %select_n3A_316 : vector<16xf32>
      %select_n3A_330 = arith.select %gt3A_329, %select_n3A_328, %select_n3A_316 : vector<16xi1>, vector<16xf32>
      %jit3A_331 = arith.constant 11 : i32
      %broadcast_in_dim3A_332 = vector.broadcast %jit3A_331 : i32 to vector<16xi32>
      %select_n3A_333 = arith.select %gt3A_329, %broadcast_in_dim3A_332, %select_n3A_319 : vector<16xi1>, vector<16xi32>
      %sub3A_334 = arith.subf %get3A_74, %select_n3A_159 : vector<16xf32>
      %exp3A_335 = math.exp %sub3A_334 : vector<16xf32>
      %add3A_336 = arith.addf %add3A_322, %exp3A_335 : vector<16xf32>
      %eq3A_337 = arith.constant 12 : i32
      %eq3A_338 = vector.broadcast %eq3A_337 : i32 to vector<16xi32>
      %eq3A_339 = arith.cmpi eq, %select_n3A_162, %eq3A_338 : vector<16xi32>
      %jit3A_340 = arith.constant 0xFF800000 : f32
      %broadcast_in_dim3A_341 = vector.broadcast %jit3A_340 : f32 to vector<16xf32>
      %select_n3A_342 = arith.select %eq3A_339, %broadcast_in_dim3A_341, %get3A_74 : vector<16xi1>, vector<16xf32>
      %gt3A_343 = arith.cmpf ogt, %select_n3A_342, %select_n3A_330 : vector<16xf32>
      %select_n3A_344 = arith.select %gt3A_343, %select_n3A_342, %select_n3A_330 : vector<16xi1>, vector<16xf32>
      %jit3A_345 = arith.constant 12 : i32
      %broadcast_in_dim3A_346 = vector.broadcast %jit3A_345 : i32 to vector<16xi32>
      %select_n3A_347 = arith.select %gt3A_343, %broadcast_in_dim3A_346, %select_n3A_333 : vector<16xi1>, vector<16xi32>
      %sub3A_348 = arith.subf %get3A_79, %select_n3A_159 : vector<16xf32>
      %exp3A_349 = math.exp %sub3A_348 : vector<16xf32>
      %add3A_350 = arith.addf %add3A_336, %exp3A_349 : vector<16xf32>
      %eq3A_351 = arith.constant 13 : i32
      %eq3A_352 = vector.broadcast %eq3A_351 : i32 to vector<16xi32>
      %eq3A_353 = arith.cmpi eq, %select_n3A_162, %eq3A_352 : vector<16xi32>
      %jit3A_354 = arith.constant 0xFF800000 : f32
      %broadcast_in_dim3A_355 = vector.broadcast %jit3A_354 : f32 to vector<16xf32>
      %select_n3A_356 = arith.select %eq3A_353, %broadcast_in_dim3A_355, %get3A_79 : vector<16xi1>, vector<16xf32>
      %gt3A_357 = arith.cmpf ogt, %select_n3A_356, %select_n3A_344 : vector<16xf32>
      %select_n3A_358 = arith.select %gt3A_357, %select_n3A_356, %select_n3A_344 : vector<16xi1>, vector<16xf32>
      %jit3A_359 = arith.constant 13 : i32
      %broadcast_in_dim3A_360 = vector.broadcast %jit3A_359 : i32 to vector<16xi32>
      %select_n3A_361 = arith.select %gt3A_357, %broadcast_in_dim3A_360, %select_n3A_347 : vector<16xi1>, vector<16xi32>
      %sub3A_362 = arith.subf %get3A_84, %select_n3A_159 : vector<16xf32>
      %exp3A_363 = math.exp %sub3A_362 : vector<16xf32>
      %add3A_364 = arith.addf %add3A_350, %exp3A_363 : vector<16xf32>
      %eq3A_365 = arith.constant 14 : i32
      %eq3A_366 = vector.broadcast %eq3A_365 : i32 to vector<16xi32>
      %eq3A_367 = arith.cmpi eq, %select_n3A_162, %eq3A_366 : vector<16xi32>
      %jit3A_368 = arith.constant 0xFF800000 : f32
      %broadcast_in_dim3A_369 = vector.broadcast %jit3A_368 : f32 to vector<16xf32>
      %select_n3A_370 = arith.select %eq3A_367, %broadcast_in_dim3A_369, %get3A_84 : vector<16xi1>, vector<16xf32>
      %gt3A_371 = arith.cmpf ogt, %select_n3A_370, %select_n3A_358 : vector<16xf32>
      %select_n3A_372 = arith.select %gt3A_371, %select_n3A_370, %select_n3A_358 : vector<16xi1>, vector<16xf32>
      %jit3A_373 = arith.constant 14 : i32
      %broadcast_in_dim3A_374 = vector.broadcast %jit3A_373 : i32 to vector<16xi32>
      %select_n3A_375 = arith.select %gt3A_371, %broadcast_in_dim3A_374, %select_n3A_361 : vector<16xi1>, vector<16xi32>
      %sub3A_376 = arith.subf %get3A_89, %select_n3A_159 : vector<16xf32>
      %exp3A_377 = math.exp %sub3A_376 : vector<16xf32>
      %add3A_378 = arith.addf %add3A_364, %exp3A_377 : vector<16xf32>
      %eq3A_379 = arith.constant 15 : i32
      %eq3A_380 = vector.broadcast %eq3A_379 : i32 to vector<16xi32>
      %eq3A_381 = arith.cmpi eq, %select_n3A_162, %eq3A_380 : vector<16xi32>
      %jit3A_382 = arith.constant 0xFF800000 : f32
      %broadcast_in_dim3A_383 = vector.broadcast %jit3A_382 : f32 to vector<16xf32>
      %select_n3A_384 = arith.select %eq3A_381, %broadcast_in_dim3A_383, %get3A_89 : vector<16xi1>, vector<16xf32>
      %gt3A_385 = arith.cmpf ogt, %select_n3A_384, %select_n3A_372 : vector<16xf32>
      %select_n3A_386 = arith.select %gt3A_385, %select_n3A_384, %select_n3A_372 : vector<16xi1>, vector<16xf32>
      %jit3A_387 = arith.constant 15 : i32
      %broadcast_in_dim3A_388 = vector.broadcast %jit3A_387 : i32 to vector<16xi32>
      %select_n3A_389 = arith.select %gt3A_385, %broadcast_in_dim3A_388, %select_n3A_375 : vector<16xi1>, vector<16xi32>
      %div3A = arith.constant 1.000000e+00 : f32
      %div3A_390 = vector.broadcast %div3A : f32 to vector<16xf32>
      %div3A_391 = arith.divf %div3A_390, %add3A_378 : vector<16xf32>
      %mul3A_392 = arith.mulf %exp3A, %div3A_391 : vector<16xf32>
      %swap3A = arith.constant 0 : i32
      %swap3A_393 = arith.index_cast %swap3A : i32 to index
      %swap3A_394 = arith.index_cast %mul3A_10 : i32 to index
      %swap3A_395 = tpu.vector_load %arg9[%swap3A_393, %swap3A_394] {strides = array<i32>} : memref<16x512xf32, #tpu.memory_space<vmem>>, vector<1x16xf32>,
      %swap3A_396 = vector.shape_cast %swap3A_395 : vector<1x16xf32> to vector<16xf32>
      %swap3A_397 = vector.shape_cast %mul3A_392 : vector<16xf32> to vector<1x16xf32>
      tpu.vector_store %arg9[%swap3A_393, %swap3A_394], %swap3A_397 {strides = array<i32>} : memref<16x512xf32, #tpu.memory_space<vmem>>, vector<1x16xf32>,
      %mul3A_398 = arith.mulf %exp3A_181, %div3A_391 : vector<16xf32>
      %swap3A_399 = arith.constant 1 : i32
      %swap3A_400 = arith.index_cast %swap3A_399 : i32 to index
      %swap3A_401 = arith.index_cast %mul3A_10 : i32 to index
      %swap3A_402 = tpu.vector_load %arg9[%swap3A_400, %swap3A_401] {strides = array<i32>} : memref<16x512xf32, #tpu.memory_space<vmem>>, vector<1x16xf32>,
      %swap3A_403 = vector.shape_cast %swap3A_402 : vector<1x16xf32> to vector<16xf32>
      %swap3A_404 = vector.shape_cast %mul3A_398 : vector<16xf32> to vector<1x16xf32>
      tpu.vector_store %arg9[%swap3A_400, %swap3A_401], %swap3A_404 {strides = array<i32>} : memref<16x512xf32, #tpu.memory_space<vmem>>, vector<1x16xf32>,
      %mul3A_405 = arith.mulf %exp3A_195, %div3A_391 : vector<16xf32>
      %swap3A_406 = arith.constant 2 : i32
      %swap3A_407 = arith.index_cast %swap3A_406 : i32 to index
      %swap3A_408 = arith.index_cast %mul3A_10 : i32 to index
      %swap3A_409 = tpu.vector_load %arg9[%swap3A_407, %swap3A_408] {strides = array<i32>} : memref<16x512xf32, #tpu.memory_space<vmem>>, vector<1x16xf32>,
      %swap3A_410 = vector.shape_cast %swap3A_409 : vector<1x16xf32> to vector<16xf32>
      %swap3A_411 = vector.shape_cast %mul3A_405 : vector<16xf32> to vector<1x16xf32>
      tpu.vector_store %arg9[%swap3A_407, %swap3A_408], %swap3A_411 {strides = array<i32>} : memref<16x512xf32, #tpu.memory_space<vmem>>, vector<1x16xf32>,
      %mul3A_412 = arith.mulf %exp3A_209, %div3A_391 : vector<16xf32>
      %swap3A_413 = arith.constant 3 : i32
      %swap3A_414 = arith.index_cast %swap3A_413 : i32 to index
      %swap3A_415 = arith.index_cast %mul3A_10 : i32 to index
      %swap3A_416 = tpu.vector_load %arg9[%swap3A_414, %swap3A_415] {strides = array<i32>} : memref<16x512xf32, #tpu.memory_space<vmem>>, vector<1x16xf32>,
      %swap3A_417 = vector.shape_cast %swap3A_416 : vector<1x16xf32> to vector<16xf32>
      %swap3A_418 = vector.shape_cast %mul3A_412 : vector<16xf32> to vector<1x16xf32>
      tpu.vector_store %arg9[%swap3A_414, %swap3A_415], %swap3A_418 {strides = array<i32>} : memref<16x512xf32, #tpu.memory_space<vmem>>, vector<1x16xf32>,
      %mul3A_419 = arith.mulf %exp3A_223, %div3A_391 : vector<16xf32>
      %swap3A_420 = arith.constant 4 : i32
      %swap3A_421 = arith.index_cast %swap3A_420 : i32 to index
      %swap3A_422 = arith.index_cast %mul3A_10 : i32 to index
      %swap3A_423 = tpu.vector_load %arg9[%swap3A_421, %swap3A_422] {strides = array<i32>} : memref<16x512xf32, #tpu.memory_space<vmem>>, vector<1x16xf32>,
      %swap3A_424 = vector.shape_cast %swap3A_423 : vector<1x16xf32> to vector<16xf32>
      %swap3A_425 = vector.shape_cast %mul3A_419 : vector<16xf32> to vector<1x16xf32>
      tpu.vector_store %arg9[%swap3A_421, %swap3A_422], %swap3A_425 {strides = array<i32>} : memref<16x512xf32, #tpu.memory_space<vmem>>, vector<1x16xf32>,
      %mul3A_426 = arith.mulf %exp3A_237, %div3A_391 : vector<16xf32>
      %swap3A_427 = arith.constant 5 : i32
      %swap3A_428 = arith.index_cast %swap3A_427 : i32 to index
      %swap3A_429 = arith.index_cast %mul3A_10 : i32 to index
      %swap3A_430 = tpu.vector_load %arg9[%swap3A_428, %swap3A_429] {strides = array<i32>} : memref<16x512xf32, #tpu.memory_space<vmem>>, vector<1x16xf32>,
      %swap3A_431 = vector.shape_cast %swap3A_430 : vector<1x16xf32> to vector<16xf32>
      %swap3A_432 = vector.shape_cast %mul3A_426 : vector<16xf32> to vector<1x16xf32>
      tpu.vector_store %arg9[%swap3A_428, %swap3A_429], %swap3A_432 {strides = array<i32>} : memref<16x512xf32, #tpu.memory_space<vmem>>, vector<1x16xf32>,
      %mul3A_433 = arith.mulf %exp3A_251, %div3A_391 : vector<16xf32>
      %swap3A_434 = arith.constant 6 : i32
      %swap3A_435 = arith.index_cast %swap3A_434 : i32 to index
      %swap3A_436 = arith.index_cast %mul3A_10 : i32 to index
      %swap3A_437 = tpu.vector_load %arg9[%swap3A_435, %swap3A_436] {strides = array<i32>} : memref<16x512xf32, #tpu.memory_space<vmem>>, vector<1x16xf32>,
      %swap3A_438 = vector.shape_cast %swap3A_437 : vector<1x16xf32> to vector<16xf32>
      %swap3A_439 = vector.shape_cast %mul3A_433 : vector<16xf32> to vector<1x16xf32>
      tpu.vector_store %arg9[%swap3A_435, %swap3A_436], %swap3A_439 {strides = array<i32>} : memref<16x512xf32, #tpu.memory_space<vmem>>, vector<1x16xf32>,
      %mul3A_440 = arith.mulf %exp3A_265, %div3A_391 : vector<16xf32>
      %swap3A_441 = arith.constant 7 : i32
      %swap3A_442 = arith.index_cast %swap3A_441 : i32 to index
      %swap3A_443 = arith.index_cast %mul3A_10 : i32 to index
      %swap3A_444 = tpu.vector_load %arg9[%swap3A_442, %swap3A_443] {strides = array<i32>} : memref<16x512xf32, #tpu.memory_space<vmem>>, vector<1x16xf32>,
      %swap3A_445 = vector.shape_cast %swap3A_444 : vector<1x16xf32> to vector<16xf32>
      %swap3A_446 = vector.shape_cast %mul3A_440 : vector<16xf32> to vector<1x16xf32>
      tpu.vector_store %arg9[%swap3A_442, %swap3A_443], %swap3A_446 {strides = array<i32>} : memref<16x512xf32, #tpu.memory_space<vmem>>, vector<1x16xf32>,
      %mul3A_447 = arith.mulf %exp3A_279, %div3A_391 : vector<16xf32>
      %swap3A_448 = arith.constant 8 : i32
      %swap3A_449 = arith.index_cast %swap3A_448 : i32 to index
      %swap3A_450 = arith.index_cast %mul3A_10 : i32 to index
      %swap3A_451 = tpu.vector_load %arg9[%swap3A_449, %swap3A_450] {strides = array<i32>} : memref<16x512xf32, #tpu.memory_space<vmem>>, vector<1x16xf32>,
      %swap3A_452 = vector.shape_cast %swap3A_451 : vector<1x16xf32> to vector<16xf32>
      %swap3A_453 = vector.shape_cast %mul3A_447 : vector<16xf32> to vector<1x16xf32>
      tpu.vector_store %arg9[%swap3A_449, %swap3A_450], %swap3A_453 {strides = array<i32>} : memref<16x512xf32, #tpu.memory_space<vmem>>, vector<1x16xf32>,
      %mul3A_454 = arith.mulf %exp3A_293, %div3A_391 : vector<16xf32>
      %swap3A_455 = arith.constant 9 : i32
      %swap3A_456 = arith.index_cast %swap3A_455 : i32 to index
      %swap3A_457 = arith.index_cast %mul3A_10 : i32 to index
      %swap3A_458 = tpu.vector_load %arg9[%swap3A_456, %swap3A_457] {strides = array<i32>} : memref<16x512xf32, #tpu.memory_space<vmem>>, vector<1x16xf32>,
      %swap3A_459 = vector.shape_cast %swap3A_458 : vector<1x16xf32> to vector<16xf32>
      %swap3A_460 = vector.shape_cast %mul3A_454 : vector<16xf32> to vector<1x16xf32>
      tpu.vector_store %arg9[%swap3A_456, %swap3A_457], %swap3A_460 {strides = array<i32>} : memref<16x512xf32, #tpu.memory_space<vmem>>, vector<1x16xf32>,
      %mul3A_461 = arith.mulf %exp3A_307, %div3A_391 : vector<16xf32>
      %swap3A_462 = arith.constant 10 : i32
      %swap3A_463 = arith.index_cast %swap3A_462 : i32 to index
      %swap3A_464 = arith.index_cast %mul3A_10 : i32 to index
      %swap3A_465 = tpu.vector_load %arg9[%swap3A_463, %swap3A_464] {strides = array<i32>} : memref<16x512xf32, #tpu.memory_space<vmem>>, vector<1x16xf32>,
      %swap3A_466 = vector.shape_cast %swap3A_465 : vector<1x16xf32> to vector<16xf32>
      %swap3A_467 = vector.shape_cast %mul3A_461 : vector<16xf32> to vector<1x16xf32>
      tpu.vector_store %arg9[%swap3A_463, %swap3A_464], %swap3A_467 {strides = array<i32>} : memref<16x512xf32, #tpu.memory_space<vmem>>, vector<1x16xf32>,
      %mul3A_468 = arith.mulf %exp3A_321, %div3A_391 : vector<16xf32>
      %swap3A_469 = arith.constant 11 : i32
      %swap3A_470 = arith.index_cast %swap3A_469 : i32 to index
      %swap3A_471 = arith.index_cast %mul3A_10 : i32 to index
      %swap3A_472 = tpu.vector_load %arg9[%swap3A_470, %swap3A_471] {strides = array<i32>} : memref<16x512xf32, #tpu.memory_space<vmem>>, vector<1x16xf32>,
      %swap3A_473 = vector.shape_cast %swap3A_472 : vector<1x16xf32> to vector<16xf32>
      %swap3A_474 = vector.shape_cast %mul3A_468 : vector<16xf32> to vector<1x16xf32>
      tpu.vector_store %arg9[%swap3A_470, %swap3A_471], %swap3A_474 {strides = array<i32>} : memref<16x512xf32, #tpu.memory_space<vmem>>, vector<1x16xf32>,
      %mul3A_475 = arith.mulf %exp3A_335, %div3A_391 : vector<16xf32>
      %swap3A_476 = arith.constant 12 : i32
      %swap3A_477 = arith.index_cast %swap3A_476 : i32 to index
      %swap3A_478 = arith.index_cast %mul3A_10 : i32 to index
      %swap3A_479 = tpu.vector_load %arg9[%swap3A_477, %swap3A_478] {strides = array<i32>} : memref<16x512xf32, #tpu.memory_space<vmem>>, vector<1x16xf32>,
      %swap3A_480 = vector.shape_cast %swap3A_479 : vector<1x16xf32> to vector<16xf32>
      %swap3A_481 = vector.shape_cast %mul3A_475 : vector<16xf32> to vector<1x16xf32>
      tpu.vector_store %arg9[%swap3A_477, %swap3A_478], %swap3A_481 {strides = array<i32>} : memref<16x512xf32, #tpu.memory_space<vmem>>, vector<1x16xf32>,
      %mul3A_482 = arith.mulf %exp3A_349, %div3A_391 : vector<16xf32>
      %swap3A_483 = arith.constant 13 : i32
      %swap3A_484 = arith.index_cast %swap3A_483 : i32 to index
      %swap3A_485 = arith.index_cast %mul3A_10 : i32 to index
      %swap3A_486 = tpu.vector_load %arg9[%swap3A_484, %swap3A_485] {strides = array<i32>} : memref<16x512xf32, #tpu.memory_space<vmem>>, vector<1x16xf32>,
      %swap3A_487 = vector.shape_cast %swap3A_486 : vector<1x16xf32> to vector<16xf32>
      %swap3A_488 = vector.shape_cast %mul3A_482 : vector<16xf32> to vector<1x16xf32>
      tpu.vector_store %arg9[%swap3A_484, %swap3A_485], %swap3A_488 {strides = array<i32>} : memref<16x512xf32, #tpu.memory_space<vmem>>, vector<1x16xf32>,
      %mul3A_489 = arith.mulf %exp3A_363, %div3A_391 : vector<16xf32>
      %swap3A_490 = arith.constant 14 : i32
      %swap3A_491 = arith.index_cast %swap3A_490 : i32 to index
      %swap3A_492 = arith.index_cast %mul3A_10 : i32 to index
      %swap3A_493 = tpu.vector_load %arg9[%swap3A_491, %swap3A_492] {strides = array<i32>} : memref<16x512xf32, #tpu.memory_space<vmem>>, vector<1x16xf32>,
      %swap3A_494 = vector.shape_cast %swap3A_493 : vector<1x16xf32> to vector<16xf32>
      %swap3A_495 = vector.shape_cast %mul3A_489 : vector<16xf32> to vector<1x16xf32>
      tpu.vector_store %arg9[%swap3A_491, %swap3A_492], %swap3A_495 {strides = array<i32>} : memref<16x512xf32, #tpu.memory_space<vmem>>, vector<1x16xf32>,
      %mul3A_496 = arith.mulf %exp3A_377, %div3A_391 : vector<16xf32>
      %swap3A_497 = arith.constant 15 : i32
      %swap3A_498 = arith.index_cast %swap3A_497 : i32 to index
      %swap3A_499 = arith.index_cast %mul3A_10 : i32 to index
      %swap3A_500 = tpu.vector_load %arg9[%swap3A_498, %swap3A_499] {strides = array<i32>} : memref<16x512xf32, #tpu.memory_space<vmem>>, vector<1x16xf32>,
      %swap3A_501 = vector.shape_cast %swap3A_500 : vector<1x16xf32> to vector<16xf32>
      %swap3A_502 = vector.shape_cast %mul3A_496 : vector<16xf32> to vector<1x16xf32>
      tpu.vector_store %arg9[%swap3A_498, %swap3A_499], %swap3A_502 {strides = array<i32>} : memref<16x512xf32, #tpu.memory_space<vmem>>, vector<1x16xf32>,
      %sub3A_503 = arith.subf %select_n3A_386, %select_n3A_159 : vector<16xf32>
      %exp3A_504 = math.exp %sub3A_503 : vector<16xf32>
      %add3A_505 = arith.constant 1.000000e+00 : f32
      %add3A_506 = vector.broadcast %add3A_505 : f32 to vector<16xf32>
      %add3A_507 = arith.addf %add3A_506, %exp3A_504 : vector<16xf32>
      %div3A_508 = arith.constant 1.000000e+00 : f32
      %div3A_509 = vector.broadcast %div3A_508 : f32 to vector<16xf32>
      %div3A_510 = arith.divf %div3A_509, %add3A_507 : vector<16xf32>
      %swap3A_511 = arith.index_cast %mul3A_10 : i32 to index
      %swap3A_512 = tpu.vector_load %arg10[%swap3A_511] {strides = array<i32>} : memref<512xf32, #tpu.memory_space<vmem>>, vector<16xf32>,
      %swap3A_513 = vector.shape_cast %swap3A_512 : vector<16xf32> to vector<16xf32>
      %swap3A_514 = vector.shape_cast %div3A_510 : vector<16xf32> to vector<16xf32>
      tpu.vector_store %arg10[%swap3A_511], %swap3A_514 {strides = array<i32>} : memref<512xf32, #tpu.memory_space<vmem>>, vector<16xf32>,
      %mul3A_515 = arith.mulf %exp3A_504, %div3A_510 : vector<16xf32>
      %swap3A_516 = arith.index_cast %mul3A_10 : i32 to index
      %swap3A_517 = tpu.vector_load %arg11[%swap3A_516] {strides = array<i32>} : memref<512xf32, #tpu.memory_space<vmem>>, vector<16xf32>,
      %swap3A_518 = vector.shape_cast %swap3A_517 : vector<16xf32> to vector<16xf32>
      %swap3A_519 = vector.shape_cast %mul3A_515 : vector<16xf32> to vector<16xf32>
      tpu.vector_store %arg11[%swap3A_516], %swap3A_519 {strides = array<i32>} : memref<512xf32, #tpu.memory_space<vmem>>, vector<16xf32>,
      %swap3A_520 = arith.index_cast %mul3A_10 : i32 to index
      %swap3A_521 = tpu.vector_load %arg12[%swap3A_520] {strides = array<i32>} : memref<512xi32, #tpu.memory_space<vmem>>, vector<16xi32>,
      %swap3A_522 = vector.shape_cast %swap3A_521 : vector<16xi32> to vector<16xi32>
      %swap3A_523 = vector.shape_cast %select_n3A_162 : vector<16xi32> to vector<16xi32>
      tpu.vector_store %arg12[%swap3A_520], %swap3A_523 {strides = array<i32>} : memref<512xi32, #tpu.memory_space<vmem>>, vector<16xi32>,
      %swap3A_524 = arith.index_cast %mul3A_10 : i32 to index
      %swap3A_525 = tpu.vector_load %arg13[%swap3A_524] {strides = array<i32>} : memref<512xi32, #tpu.memory_space<vmem>>, vector<16xi32>,
      %swap3A_526 = vector.shape_cast %swap3A_525 : vector<16xi32> to vector<16xi32>
      %swap3A_527 = vector.shape_cast %select_n3A_389 : vector<16xi32> to vector<16xi32>
      tpu.vector_store %arg13[%swap3A_524], %swap3A_527 {strides = array<i32>} : memref<512xi32, #tpu.memory_space<vmem>>, vector<16xi32>,
      %scan3A_528 = arith.constant 0 : i32
      scf.yield %scan3A_528 : i32
    }
    %scan3A_6 = arith.constant 32 : i32
    "tpu.region"() ({
      %run_scoped3A = tpu.sem_alloc : memref<!tpu.dma_semaphore, #tpu.memory_space<semaphore_mem>>
      %dma_start3A = arith.constant 0 : i32
      %dma_start3A_7 = arith.constant 0 : i32
      %dma_start3A_8 = tpu.memref_slice %arg3[%add3A, %dma_start3A, %dma_start3A_7] : memref<32x16x512xf32, #tpu.memory_space<hbm>> -> memref<1x16x512xf32, #tpu.memory_space<hbm>>
      %dma_start3A_9 = tpu.memref_squeeze %dma_start3A_8 : memref<1x16x512xf32, #tpu.memory_space<hbm>> -> memref<16x512xf32, #tpu.memory_space<hbm>>
      %dma_start3A_10 = arith.constant 0 : i32
      %dma_start3A_11 = arith.constant 0 : i32
      %dma_start3A_12 = tpu.memref_slice %arg3[%add3A, %dma_start3A_10, %dma_start3A_11] : memref<32x16x512xf32, #tpu.memory_space<hbm>> -> memref<1x16x512xf32, #tpu.memory_space<hbm>>
      %dma_start3A_13 = tpu.memref_squeeze %dma_start3A_12 : memref<1x16x512xf32, #tpu.memory_space<hbm>> -> memref<16x512xf32, #tpu.memory_space<hbm>>
      tpu.enqueue_dma source(%arg9 : memref<16x512xf32, #tpu.memory_space<vmem>>) target(%dma_start3A_13 : memref<16x512xf32, #tpu.memory_space<hbm>>) target_semaphore(%run_scoped3A : memref<!tpu.dma_semaphore, #tpu.memory_space<semaphore_mem>>)
      %dma_wait3A = arith.constant 0 : i32
      %dma_wait3A_14 = arith.constant 0 : i32
      %dma_wait3A_15 = tpu.memref_slice %arg3[%add3A, %dma_wait3A, %dma_wait3A_14] : memref<32x16x512xf32, #tpu.memory_space<hbm>> -> memref<1x16x512xf32, #tpu.memory_space<hbm>>
      %dma_wait3A_16 = tpu.memref_squeeze %dma_wait3A_15 : memref<1x16x512xf32, #tpu.memory_space<hbm>> -> memref<16x512xf32, #tpu.memory_space<hbm>>
      %dma_wait3A_17 = arith.constant 0 : i32
      %dma_wait3A_18 = arith.constant 0 : i32
      %dma_wait3A_19 = tpu.memref_slice %arg3[%add3A, %dma_wait3A_17, %dma_wait3A_18] : memref<32x16x512xf32, #tpu.memory_space<hbm>> -> memref<1x16x512xf32, #tpu.memory_space<hbm>>
      %dma_wait3A_20 = tpu.memref_squeeze %dma_wait3A_19 : memref<1x16x512xf32, #tpu.memory_space<hbm>> -> memref<16x512xf32, #tpu.memory_space<hbm>>
      tpu.wait_dma2 semaphore(%run_scoped3A : memref<!tpu.dma_semaphore, #tpu.memory_space<semaphore_mem>>) src(%arg9 : memref<16x512xf32, #tpu.memory_space<vmem>>) dst(%dma_wait3A_20 : memref<16x512xf32, #tpu.memory_space<hbm>>)
      tpu.yield
    }) : () -> ()
    "tpu.region"() ({
      %run_scoped3A = tpu.sem_alloc : memref<!tpu.dma_semaphore, #tpu.memory_space<semaphore_mem>>
      %dma_start3A = arith.constant 0 : i32
      %dma_start3A_7 = tpu.memref_slice %arg4[%add3A, %dma_start3A] : memref<32x512xf32, #tpu.memory_space<hbm>> -> memref<1x512xf32, #tpu.memory_space<hbm>>
      %dma_start3A_8 = tpu.memref_squeeze %dma_start3A_7 : memref<1x512xf32, #tpu.memory_space<hbm>> -> memref<512xf32, #tpu.memory_space<hbm>>
      %dma_start3A_9 = arith.constant 0 : i32
      %dma_start3A_10 = tpu.memref_slice %arg4[%add3A, %dma_start3A_9] : memref<32x512xf32, #tpu.memory_space<hbm>> -> memref<1x512xf32, #tpu.memory_space<hbm>>
      %dma_start3A_11 = tpu.memref_squeeze %dma_start3A_10 : memref<1x512xf32, #tpu.memory_space<hbm>> -> memref<512xf32, #tpu.memory_space<hbm>>
      tpu.enqueue_dma source(%arg10 : memref<512xf32, #tpu.memory_space<vmem>>) target(%dma_start3A_11 : memref<512xf32, #tpu.memory_space<hbm>>) target_semaphore(%run_scoped3A : memref<!tpu.dma_semaphore, #tpu.memory_space<semaphore_mem>>)
      %dma_wait3A = arith.constant 0 : i32
      %dma_wait3A_12 = tpu.memref_slice %arg4[%add3A, %dma_wait3A] : memref<32x512xf32, #tpu.memory_space<hbm>> -> memref<1x512xf32, #tpu.memory_space<hbm>>
      %dma_wait3A_13 = tpu.memref_squeeze %dma_wait3A_12 : memref<1x512xf32, #tpu.memory_space<hbm>> -> memref<512xf32, #tpu.memory_space<hbm>>
      %dma_wait3A_14 = arith.constant 0 : i32
      %dma_wait3A_15 = tpu.memref_slice %arg4[%add3A, %dma_wait3A_14] : memref<32x512xf32, #tpu.memory_space<hbm>> -> memref<1x512xf32, #tpu.memory_space<hbm>>
      %dma_wait3A_16 = tpu.memref_squeeze %dma_wait3A_15 : memref<1x512xf32, #tpu.memory_space<hbm>> -> memref<512xf32, #tpu.memory_space<hbm>>
      tpu.wait_dma2 semaphore(%run_scoped3A : memref<!tpu.dma_semaphore, #tpu.memory_space<semaphore_mem>>) src(%arg10 : memref<512xf32, #tpu.memory_space<vmem>>) dst(%dma_wait3A_16 : memref<512xf32, #tpu.memory_space<hbm>>)
      tpu.yield
    }) : () -> ()
    "tpu.region"() ({
      %run_scoped3A = tpu.sem_alloc : memref<!tpu.dma_semaphore, #tpu.memory_space<semaphore_mem>>
      %dma_start3A = arith.constant 0 : i32
      %dma_start3A_7 = tpu.memref_slice %arg5[%add3A, %dma_start3A] : memref<32x512xf32, #tpu.memory_space<hbm>> -> memref<1x512xf32, #tpu.memory_space<hbm>>
      %dma_start3A_8 = tpu.memref_squeeze %dma_start3A_7 : memref<1x512xf32, #tpu.memory_space<hbm>> -> memref<512xf32, #tpu.memory_space<hbm>>
      %dma_start3A_9 = arith.constant 0 : i32
      %dma_start3A_10 = tpu.memref_slice %arg5[%add3A, %dma_start3A_9] : memref<32x512xf32, #tpu.memory_space<hbm>> -> memref<1x512xf32, #tpu.memory_space<hbm>>
      %dma_start3A_11 = tpu.memref_squeeze %dma_start3A_10 : memref<1x512xf32, #tpu.memory_space<hbm>> -> memref<512xf32, #tpu.memory_space<hbm>>
      tpu.enqueue_dma source(%arg11 : memref<512xf32, #tpu.memory_space<vmem>>) target(%dma_start3A_11 : memref<512xf32, #tpu.memory_space<hbm>>) target_semaphore(%run_scoped3A : memref<!tpu.dma_semaphore, #tpu.memory_space<semaphore_mem>>)
      %dma_wait3A = arith.constant 0 : i32
      %dma_wait3A_12 = tpu.memref_slice %arg5[%add3A, %dma_wait3A] : memref<32x512xf32, #tpu.memory_space<hbm>> -> memref<1x512xf32, #tpu.memory_space<hbm>>
      %dma_wait3A_13 = tpu.memref_squeeze %dma_wait3A_12 : memref<1x512xf32, #tpu.memory_space<hbm>> -> memref<512xf32, #tpu.memory_space<hbm>>
      %dma_wait3A_14 = arith.constant 0 : i32
      %dma_wait3A_15 = tpu.memref_slice %arg5[%add3A, %dma_wait3A_14] : memref<32x512xf32, #tpu.memory_space<hbm>> -> memref<1x512xf32, #tpu.memory_space<hbm>>
      %dma_wait3A_16 = tpu.memref_squeeze %dma_wait3A_15 : memref<1x512xf32, #tpu.memory_space<hbm>> -> memref<512xf32, #tpu.memory_space<hbm>>
      tpu.wait_dma2 semaphore(%run_scoped3A : memref<!tpu.dma_semaphore, #tpu.memory_space<semaphore_mem>>) src(%arg11 : memref<512xf32, #tpu.memory_space<vmem>>) dst(%dma_wait3A_16 : memref<512xf32, #tpu.memory_space<hbm>>)
      tpu.yield
    }) : () -> ()
    "tpu.region"() ({
      %run_scoped3A = tpu.sem_alloc : memref<!tpu.dma_semaphore, #tpu.memory_space<semaphore_mem>>
      %dma_start3A = arith.constant 0 : i32
      %dma_start3A_7 = tpu.memref_slice %arg6[%add3A, %dma_start3A] : memref<32x512xi32, #tpu.memory_space<hbm>> -> memref<1x512xi32, #tpu.memory_space<hbm>>
      %dma_start3A_8 = tpu.memref_squeeze %dma_start3A_7 : memref<1x512xi32, #tpu.memory_space<hbm>> -> memref<512xi32, #tpu.memory_space<hbm>>
      %dma_start3A_9 = arith.constant 0 : i32
      %dma_start3A_10 = tpu.memref_slice %arg6[%add3A, %dma_start3A_9] : memref<32x512xi32, #tpu.memory_space<hbm>> -> memref<1x512xi32, #tpu.memory_space<hbm>>
      %dma_start3A_11 = tpu.memref_squeeze %dma_start3A_10 : memref<1x512xi32, #tpu.memory_space<hbm>> -> memref<512xi32, #tpu.memory_space<hbm>>
      tpu.enqueue_dma source(%arg12 : memref<512xi32, #tpu.memory_space<vmem>>) target(%dma_start3A_11 : memref<512xi32, #tpu.memory_space<hbm>>) target_semaphore(%run_scoped3A : memref<!tpu.dma_semaphore, #tpu.memory_space<semaphore_mem>>)
      %dma_wait3A = arith.constant 0 : i32
      %dma_wait3A_12 = tpu.memref_slice %arg6[%add3A, %dma_wait3A] : memref<32x512xi32, #tpu.memory_space<hbm>> -> memref<1x512xi32, #tpu.memory_space<hbm>>
      %dma_wait3A_13 = tpu.memref_squeeze %dma_wait3A_12 : memref<1x512xi32, #tpu.memory_space<hbm>> -> memref<512xi32, #tpu.memory_space<hbm>>
      %dma_wait3A_14 = arith.constant 0 : i32
      %dma_wait3A_15 = tpu.memref_slice %arg6[%add3A, %dma_wait3A_14] : memref<32x512xi32, #tpu.memory_space<hbm>> -> memref<1x512xi32, #tpu.memory_space<hbm>>
      %dma_wait3A_16 = tpu.memref_squeeze %dma_wait3A_15 : memref<1x512xi32, #tpu.memory_space<hbm>> -> memref<512xi32, #tpu.memory_space<hbm>>
      tpu.wait_dma2 semaphore(%run_scoped3A : memref<!tpu.dma_semaphore, #tpu.memory_space<semaphore_mem>>) src(%arg12 : memref<512xi32, #tpu.memory_space<vmem>>) dst(%dma_wait3A_16 : memref<512xi32, #tpu.memory_space<hbm>>)
      tpu.yield
    }) : () -> ()
    "tpu.region"() ({
      %run_scoped3A = tpu.sem_alloc : memref<!tpu.dma_semaphore, #tpu.memory_space<semaphore_mem>>
      %dma_start3A = arith.constant 0 : i32
      %dma_start3A_7 = tpu.memref_slice %arg7[%add3A, %dma_start3A] : memref<32x512xi32, #tpu.memory_space<hbm>> -> memref<1x512xi32, #tpu.memory_space<hbm>>
      %dma_start3A_8 = tpu.memref_squeeze %dma_start3A_7 : memref<1x512xi32, #tpu.memory_space<hbm>> -> memref<512xi32, #tpu.memory_space<hbm>>
      %dma_start3A_9 = arith.constant 0 : i32
      %dma_start3A_10 = tpu.memref_slice %arg7[%add3A, %dma_start3A_9] : memref<32x512xi32, #tpu.memory_space<hbm>> -> memref<1x512xi32, #tpu.memory_space<hbm>>
      %dma_start3A_11 = tpu.memref_squeeze %dma_start3A_10 : memref<1x512xi32, #tpu.memory_space<hbm>> -> memref<512xi32, #tpu.memory_space<hbm>>
      tpu.enqueue_dma source(%arg13 : memref<512xi32, #tpu.memory_space<vmem>>) target(%dma_start3A_11 : memref<512xi32, #tpu.memory_space<hbm>>) target_semaphore(%run_scoped3A : memref<!tpu.dma_semaphore, #tpu.memory_space<semaphore_mem>>)
      %dma_wait3A = arith.constant 0 : i32
      %dma_wait3A_12 = tpu.memref_slice %arg7[%add3A, %dma_wait3A] : memref<32x512xi32, #tpu.memory_space<hbm>> -> memref<1x512xi32, #tpu.memory_space<hbm>>
      %dma_wait3A_13 = tpu.memref_squeeze %dma_wait3A_12 : memref<1x512xi32, #tpu.memory_space<hbm>> -> memref<512xi32, #tpu.memory_space<hbm>>
      %dma_wait3A_14 = arith.constant 0 : i32
      %dma_wait3A_15 = tpu.memref_slice %arg7[%add3A, %dma_wait3A_14] : memref<32x512xi32, #tpu.memory_space<hbm>> -> memref<1x512xi32, #tpu.memory_space<hbm>>
      %dma_wait3A_16 = tpu.memref_squeeze %dma_wait3A_15 : memref<1x512xi32, #tpu.memory_space<hbm>> -> memref<512xi32, #tpu.memory_space<hbm>>
      tpu.wait_dma2 semaphore(%run_scoped3A : memref<!tpu.dma_semaphore, #tpu.memory_space<semaphore_mem>>) src(%arg13 : memref<512xi32, #tpu.memory_space<vmem>>) dst(%dma_wait3A_16 : memref<512xi32, #tpu.memory_space<hbm>>)
      tpu.yield
    }) : () -> ()
    return
  }
}

module attributes {stable_mosaic.version = 14 : i64} {
  func.func @_matmul_body(%arg0: i32, %arg1: memref<512x2048xf32, #tpu.memory_space<vmem>>, %arg2: memref<2048x16xf32, #tpu.memory_space<vmem>>, %arg3: memref<1x16x512xf32, #tpu.memory_space<vmem>>) attributes {dimension_semantics = [#tpu.dimension_semantics<arbitrary>], iteration_bounds = array<i64: 32>, scalar_prefetch = 0 : i64, scratch_operands = 0 : i64, tpu.core_type = #tpu.core_type<tc>, window_params = [{transform_indices = @transform_0, window_bounds = array<i64: 512, 2048>}, {pipeline_mode = #tpu.pipeline_mode<synchronous>, transform_indices = @transform_1, window_bounds = array<i64: 2048, 16>}, {transform_indices = @transform_2, window_bounds = array<i64: 1, 16, 512>}]} {
    %get3A = arith.constant 0 : index
    %get3A_0 = arith.constant 0 : index
    %get3A_1 = vector.load %arg1[%get3A, %get3A_0] : memref<512x2048xf32, #tpu.memory_space<vmem>>, vector<512x2048xf32>
    %get3A_2 = arith.constant 0 : index
    %get3A_3 = arith.constant 0 : index
    %get3A_4 = vector.load %arg2[%get3A_2, %get3A_3] : memref<2048x16xf32, #tpu.memory_space<vmem>>, vector<2048x16xf32>
    %dot_general3A = arith.constant dense<0.000000e+00> : vector<16x512xf32>
    %dot_general3A_5 = tpu.matmul %get3A_4, %get3A_1, %dot_general3A {dimension_numbers = #tpu.dot_dimension_numbers<[0], [1], [1], [0], [0, 1, 1, 0], [], []>, transpose_lhs_hint = false} : vector<2048x16xf32>, vector<512x2048xf32>, vector<16x512xf32> -> vector<16x512xf32>
    %broadcast_in_dim3A = vector.shape_cast %dot_general3A_5 : vector<16x512xf32> to vector<1x16x512xf32>
    %swap3A = arith.constant 0 : index
    %swap3A_6 = arith.constant 0 : index
    %swap3A_7 = arith.constant 0 : index
    %swap3A_8 = vector.load %arg3[%swap3A, %swap3A_6, %swap3A_7] : memref<1x16x512xf32, #tpu.memory_space<vmem>>, vector<1x16x512xf32>
    tpu.vector_store %arg3[%swap3A, %swap3A_6, %swap3A_7], %broadcast_in_dim3A {strides = array<i32>} : memref<1x16x512xf32, #tpu.memory_space<vmem>>, vector<1x16x512xf32>,
    return
  }
  func.func @transform_0(%arg0: i32) -> (i32, i32) {
    %add3A = arith.constant 0 : i32
    %add3A_0 = arith.addi %arg0, %add3A : i32
    %c0_i32 = arith.constant 0 : i32
    %c0_i32_1 = arith.constant 0 : i32
    return %add3A_0, %c0_i32 : i32, i32
  }
  func.func @transform_1(%arg0: i32) -> (i32, i32) {
    %c0_i32 = arith.constant 0 : i32
    %c0_i32_0 = arith.constant 0 : i32
    %c0_i32_1 = arith.constant 0 : i32
    return %c0_i32, %c0_i32_0 : i32, i32
  }
  func.func @transform_2(%arg0: i32) -> (i32, i32, i32) {
    %c0_i32 = arith.constant 0 : i32
    %c0_i32_0 = arith.constant 0 : i32
    %c0_i32_1 = arith.constant 0 : i32
    return %arg0, %c0_i32, %c0_i32_0 : i32, i32, i32
  }
}

</mosaic_0001>

<sc_bundles>
// kernel: kernel.4.cloned.1.call-start
scs
__scs_entry_jumppad:
0x0: {  	(pc) =	sbr.rel $0x88, $3  }
0x1: {  	(tag) =	ssettag $0x0;
	lr =	simm.s32 $0x1  }
0x2: {  	[smem:$0x3F9F] =	sst lr;
	_ =	strace $0xD0000000  }
0x3: {  	_ = 	snop  }
0x4: {  	_ = 	snop  }
0x5: {  	_ = 	snop  }
0x6: {  	_ = 	snop  }
0x7: {  	_ = 	snop  }
__scs_overlays_trampoline_lowered:
0x8: {  	[smem:$0x3FAE] =	sst s0  }
0x9: {  	[smem:$0x3FAF] =	sst s1  }
0xa: {  	[smem:$0x3FB0] =	sst s2  }
0xb: {  	[smem:$0x3FB1] =	sst s3  }
0xc: {  	[smem:$0x3FB2] =	sst s4  }
0xd: {  	[smem:$0x3FB3] =	sst s5  }
0xe: {  	[smem:$0x3FB4] =	sst s6  }
0xf: {  	[smem:$0x3FB5] =	sst s7  }
0x10: {  	[smem:$0x3FB6] =	sst s8  }
0x11: {  	[smem:$0x3FB7] =	sst s9;
	s0 =	simm.s32 @!p0 $0x0  }
0x12: {  	s1 =	sld [smem:$0x3F9D];
	s0 =	simm.s32 @p0 $0x1  }
0x13: {  	[smem:$0x3FB8] =	sst s0;
	s0 =	simm.s32 @!p1 $0x0  }
0x14: {  	s2 =	sld [smem:$0x3F9C];
	s0 =	simm.s32 @p1 $0x1  }
0x15: {  	[smem:$0x3FB9] =	sst s0;
	s0 =	simm.s32 @!p2 $0x0  }
0x16: {  	s3 =	sld [smem:$0x3FDB];
	s0 =	simm.s32 @p2 $0x1  }
0x17: {  	s4 =	simm.s32 $0x1BF5;
	[smem:$0x3FBB] =	sst s0  }
0x18: {  	s0 =	sld [smem:$0x3F9E];
	_ =	swait.ge [sflag:s4], $0x0  }
0x19: {  	s7 =	sld [smem:$0x3F9F]  }
0x1a: {  	s8 =	sadd.s32 $0xFFFFE003, lr  }
0x1b: {  	s9 =	sadd.s32 $0xFFFFFEF7, lr;
	s5 =	simm.s32 $0xFFFFFFFF;
	p2 =	slt.u32 s8, $0xFFFFF086  }
0x1c: {  	p1 =	slt.u32 s9, $0xF7A;
	s5 =	simm.s32 @!p2 $0x0  }
0x1d: {  	s5 =	simm.s32 @p1 $0x1;
	p0 =	seq.s32 s7, s2  }
0x1e: {  	s7 =	smul.u32 @!p0 $0xF7A, s2;
	p2 =	seq.s32 @!p0 s5, $0x0  }
0x1f: {  	s9 =	smul.u32 $0xF7A, s1;
	s8 =	simm.s32 @!p0 $0x1BF5;
	p2 =	por !p2, p0  }
0x20: {  	[sflag:s8] =	ssyncset.s32 @!p0 $0xFFFFF086;
	s6 =	sadd.s32 @!p0 s3, s7;
	s7 =	simm.s32 @!p0 $0x108  }
0x21: {  	s3 =	sadd.s32 s3, s9;
	s6 =	sadd.s32 @!p0 $0x88, s6;
	s7 =	simm.s32 @p2 $0x1082  }
0x22: {  	[simem:s7], [sflag:s8] =	dma.local @!p0 [hbm:s6], $0xF7A  }
0x23: {  	s9 =	sor.u32 $0xD0000000, s2;
	s6 =	simm.s32 $0x108;
	_ =	swait.ge @!p0 [sflag:s8], $0x0  }
0x24: {  	s3 =	sadd.s32 $0x88, s3;
	s6 =	simm.s32 @!p1 $0x1082;
	[sflag:s4] =	ssyncset.s32 $0xFFFFF086  }
0x25: {  	[simem:s6], [sflag:s4] =	dma.local [hbm:s3], $0xF7A  }
0x26: {  	[smem:$0x3F9F] =	sst s1;
	(tag) =	ssettag s2;
	_ =	strace s9  }
0x27: {  	s1 =	sld [smem:$0x3FAF]  }
0x28: {  	s2 =	sld [smem:$0x3FB0]  }
0x29: {  	s4 =	sld [smem:$0x3FB2]  }
0x2a: {  	p0 =	seq.s32 s5, $0x0;
	s5 =	sld [smem:$0x3FB3]  }
0x2b: {  	s6 =	sld [smem:$0x3FB4]  }
0x2c: {  	s7 =	sld [smem:$0x3FB5]  }
0x2d: {  	s3 =	simm.s32 $0x108;
	s8 =	sld [smem:$0x3FB6]  }
0x2e: {  	s3 =	simm.s32 @!p0 $0x1082;
	s9 =	sld [smem:$0x3FB7]  }
0x2f: {  	lr =	sadd.s32 s0, s3;
	s0 =	sld [smem:$0x3FAE]  }
0x30: {  	s3 =	sld [smem:$0x3FB1]  }
0x31: {  	[smem:$0x3FBA] =	sst s10  }
0x32: {  	s10 =	sld [smem:$0x3FB8];
	_ =	sdelay $0x3  }
0x33: {  	p0 =	seq.s32 s10, $0x1;
	s10 =	sld [smem:$0x3FBA];
	_ =	sdelay $0x3  }
0x34: {  	[smem:$0x3FBA] =	sst s10  }
0x35: {  	s10 =	sld [smem:$0x3FB9];
	_ =	sdelay $0x3  }
0x36: {  	p1 =	seq.s32 s10, $0x1;
	s10 =	sld [smem:$0x3FBA];
	_ =	sdelay $0x3  }
0x37: {  	[smem:$0x3FBA] =	sst s10  }
0x38: {  	s10 =	sld [smem:$0x3FBB]  }
0x39: {  	_ = 	snop;
	(pc) =	sbr.ind lr, $3  }
0x3a: {  	_ = 	snop  }
0x3b: {  	_ = 	snop  }
0x3c: {  	p2 =	seq.s32 s10, $0x1;
	s10 =	sld [smem:$0x3FBA]  }
0x3d: {  	_ =	shalt  }
0x3e: {  	_ =	shalt  }
0x3f: {  	_ =	shalt  }
0x40: {  	_ =	shalt  }
0x41: {  	_ =	shalt  }
0x42: {  	_ =	shalt  }
0x43: {  	_ =	shalt  }
0x44: {  	_ =	shalt  }
0x45: {  	_ =	shalt  }
0x46: {  	_ =	shalt  }
0x47: {  	_ =	shalt  }
0x48: {  	_ =	shalt  }
0x49: {  	_ =	shalt  }
0x4a: {  	_ =	shalt  }
0x4b: {  	_ =	shalt  }
0x4c: {  	_ =	shalt  }
0x4d: {  	_ =	shalt  }
0x4e: {  	_ =	shalt  }
0x4f: {  	_ =	shalt  }
0x50: {  	_ =	shalt  }
0x51: {  	_ =	shalt  }
0x52: {  	_ =	shalt  }
0x53: {  	_ =	shalt  }
0x54: {  	_ =	shalt  }
0x55: {  	_ =	shalt  }
0x56: {  	_ =	shalt  }
0x57: {  	_ =	shalt  }
0x58: {  	_ =	shalt  }
0x59: {  	_ =	shalt  }
0x5a: {  	_ =	shalt  }
0x5b: {  	_ =	shalt  }
0x5c: {  	_ =	shalt  }
0x5d: {  	_ =	shalt  }
0x5e: {  	_ =	shalt  }
0x5f: {  	_ =	shalt  }
0x60: {  	_ =	shalt  }
0x61: {  	_ =	shalt  }
0x62: {  	_ =	shalt  }
0x63: {  	_ =	shalt  }
0x64: {  	_ =	shalt  }
0x65: {  	_ =	shalt  }
0x66: {  	_ =	shalt  }
0x67: {  	_ =	shalt  }
0x68: {  	_ =	shalt  }
0x69: {  	_ =	shalt  }
0x6a: {  	_ =	shalt  }
0x6b: {  	_ =	shalt  }
0x6c: {  	_ =	shalt  }
0x6d: {  	_ =	shalt  }
0x6e: {  	_ =	shalt  }
0x6f: {  	_ =	shalt  }
0x70: {  	_ =	shalt  }
0x71: {  	_ =	shalt  }
0x72: {  	_ =	shalt  }
0x73: {  	_ =	shalt  }
0x74: {  	_ =	shalt  }
0x75: {  	_ =	shalt  }
0x76: {  	_ =	shalt  }
0x77: {  	_ =	shalt  }
0x78: {  	_ =	shalt  }
0x79: {  	_ =	shalt  }
0x7a: {  	_ =	shalt  }
0x7b: {  	_ =	shalt  }
0x7c: {  	_ =	shalt  }
0x7d: {  	_ =	shalt  }
0x7e: {  	_ =	shalt  }
0x7f: {  	_ =	shalt  }
0x80: {  	_ =	shalt  }
0x81: {  	_ =	shalt  }
0x82: {  	_ =	shalt  }
0x83: {  	_ =	shalt  }
0x84: {  	_ =	shalt  }
0x85: {  	_ =	shalt  }
0x86: {  	_ =	shalt  }
0x87: {  	_ =	shalt  }
.Lfunc_end0:
.L_simem_size_0:
called_computation_lowered:
.L_overlay_start_0:
0x88: {  	s2 =	sld [smem:$0x3FD9]  }
0x89: {  	s3 =	sld [smem:$0x3FFE];
	_ =	sdelay $0x1  }
0x8a: {  	s1 =	srdreg.scid  }
0x8b: {  	s0 =	sand.u32 $0x1, s1  }
0x8c: {  	s14 =	sshll.u32 s0, $0xA;
	s2 =	sadd.s32 s3, s2  }
0x8d: {  	s2 =	sadd.s32 s2, s14  }
0x8e: {  	[smem:$0x3FC6] =	sst s2  }
0x8f: {  	_ = 	snop  }
0x90: {  	s2 =	sld [smem:$0x3FD0];
	_ =	sdelay $0x2  }
0x91: {  	s15 =	simm.s32 $0xA;
	s4 =	simm.s32 $0x10  }
0x92: {  	[smem:s4], [sflag:s15] =	dma.local [hbm:s2], $0x1  }
0x93: {  	_ =	swait.eq [sflag:s15], $0x1  }
0x94: {  	s16 =	sld [smem:$0x10];
	[sflag:s15] =	ssyncset.done $0x0  }
0x95: {  	s17 =	sld [smem:$0x11];
	[sflag:s15] =	ssyncadd.s32 $0xFFFFFFFF  }
0x96: {  	s18 =	sld [smem:$0x12];
	(tm) =	ssettm $0x1  }
0x97: {  	s5 =	sld [smem:$0x3FFB];
	_ =	sdelay $0x3  }
0x98: {  	_ =	strace s5  }
0x99: {  	s5 =	sld [smem:$0x3FFC];
	_ =	sdelay $0x3  }
0x9a: {  	_ =	strace s5  }
0x9b: {  	s5 =	sld [smem:$0x3FFD];
	_ =	sdelay $0x3  }
0x9c: {  	_ =	strace s5  }
0x9d: {  	_ =	strace $0x8FFFFFFF  }
0x9e: {  	s19 =	sld [smem:$0x3FDB];
	_ =	sdelay $0x1  }
0x9f: {  	s6 =	simm.s32 $_scs_section_size  }
0xa0: {  	s7 =	simm.s32 $_size__tile_overlayer_lowered;
	s8 =	simm.s32 $_tile_overlayer_lowered  }
0xa1: {  	s22 =	simm.s32 $0x1BFF;
	s21 =	sshll.u32 s8, $0x1;
	s5 =	sadd.s32 s6, s19  }
0xa2: {  	s9 =	simm.s32 $0x0;
	s20 =	sshll.u32 s7, $0x1;
	s7 =	sadd.s32 s21, s5  }
0xa3: {  	[timem:s9], [sflag:s22] =	dma.local [hbm:s7], s20  }
0xa4: {  	_ =	swait.ge [sflag:s22], s20  }
0xa5: {  	s6 =	ssub.s32 $0x0, s20;
	[sflag:s22] =	ssyncset.done $0x0  }
0xa6: {  	[sflag:s22] =	ssyncadd.s32 s6;
	_ =	sdelay $0x1  }
0xa7: {  	s23 =	simm.s32 $0x1B8B  }
0xa8: {  	_ =	swait.ge [sflag:s23], $0x1  }
0xa9: {  	[sflag:s23] =	ssyncset.done $0x0  }
0xaa: {  	s25 =	simm.s32 $0x1B8E;
	s24 =	sld [smem:$0x3FFE];
	[sflag:s23] =	ssyncadd.s32 $0xFFFFFFFF  }
0xab: {  	s26 =	simm.s32 $execute0_lowered;
	[smem:$0x3FD2] =	sst s25  }
0xac: {  	s7 =	sshll.u32 s26, $0x1;
	_ =	strace $0x80000046;
	[dreg:$0x1] =	wrdreg $0xFFFFFFFF  }
0xad: {  	s28 =	simm.s32 $_size_execute0_lowered;
	s5 =	sadd.s32 s5, s7;
	[dreg:$0x0] =	wrdreg $0x0  }
0xae: {  	s7 =	sshll.u32 s28, $0x1;
	[dreg:$0x2] =	wrdreg s5  }
0xaf: {  	[dreg:$0x3] =	wrdreg s7  }
0xb0: {  	[dreg:$0x4] =	wrdreg $0xC0  }
0xb1: {  	_ =	task [dreg:s9], $0x5FFFF  }
0xb2: {  	[dreg:$0x1] =	wrdreg $0xFFFFFFFF  }
0xb3: {  	[dreg:$0x0] =	wrdreg $0x60  }
0xb4: {  	[dreg:$0x2] =	wrdreg s16  }
0xb5: {  	[dreg:$0x3] =	wrdreg s24  }
0xb6: {  	[dreg:$0x4] =	wrdreg s18  }
0xb7: {  	[dreg:$0x5] =	wrdreg s17  }
0xb8: {  	[dreg:$0x6] =	wrdreg $0x9  }
0xb9: {  	_ =	task.clear_ibuf [dreg:s9], $0x7FFFF;
	_ =	strace $0x90000046  }
0xba: {  	s29 =	simm.s32 $0x9;
	_ =	strace $0x80000048  }
0xbb: {  	_ =	swait.ge [sflag:s29], $0x1  }
0xbc: {  	[sflag:s29] =	ssyncadd.s32 $0xFFFFFFFF  }
0xbd: {  	_ =	strace $0x90000048  }
0xbe: {  	_ =	sfence  }
0xbf: {  	s30 =	sld [smem:$0x0];
	_ =	sdelay $0x2  }
0xc0: {  	s31 =	sshll.u32 s1, $0xD;
	s1 =	sshrl.u32 s1, $0x2  }
0xc1: {  	s3 =	sand.u32 $0x4000, s31;
	s1 =	sadd.s32 s1, s30  }
0xc2: {  	s0 =	sor.u32 s3, s0;
	s1 =	sshll.u32 s1, $0x11  }
0xc3: {  	s0 =	sor.u32 s1, s0  }
0xc4: {  	s0 =	sadd.s32 $0x8F2B, s0  }
0xc5: {  	[sflag:s0] =	ssyncadd.remote.s32 $0x1  }
0xc6: {  	_ =	sfence.sel $0xFFFF  }
0xc7: {  	[dreg:$0x0] =	wrdreg $0xFFFFFFFF;
	(pc) =	sbr.abs _section_cstart, $3  }
0xc8: {  	[dreg:$0x1] =	wrdreg $0xFFFFFFFF  }
0xc9: {  	_ =	task.clear_ibuf [dreg:s9], $0x2FFFF;
	_ =	strace $0x9FFFFFFF  }
0xca: {  	(tm) =	ssettm $0x7FFFFFFF  }
0xcb: {  	_ =	shalt  }
tec
execute0_lowered:
.L_overlay_start_1:
0x0: {  	(tag) =	ssettag $0x1  }
0x1: {  	s0 =	rddreg [dreg:$0x0]  }
0x2: {  	s1 =	rddreg [dreg:$0x1]  }
0x3: {  	s5 =	rddreg [dreg:$0x2]  }
0x4: {  	s6 =	rddreg [dreg:$0x3]  }
0x5: {  	s3 =	srdreg.scid;
	s7 =	stileid.u32;
	s2 =	simm.s32 $0x0  }
0x6: {  	s10 =	simm.s32 $0x1;
	s12 =	simm.s32 $0x80;
	s13 =	simm.s32 $0x400  }
0x7: {  	s17 =	simm.s32 $0x4600;
	s18 =	simm.s32 $0x0;
	s3 =	sand.u32 $0x1, s3  }
0x8: {  	s4 =	sshll.u32 s7, $0x1;
	[smem:$0x7FF] =	sst s2;
	s7 =	sshll.u32 s7, $0x7  }
0x9: {  	s4 =	sor.u32 s3, s4;
	_ =	strace $0x80000047;
	s3 =	ssub.s32 $0x2, s3  }
0xa: {  	s8 =	sshll.u32 s4, $0x4;
	s4 =	sshll.u32 s4, $0xA;
	s9 =	sshrl.u32 s3, $0x1  }
0xb: {  	s7 =	sor.u32 s7, s8;
	s31 =	sadd.s32 s4, s1;
	s9 =	ssub.s32 s3, s9  }
0xc: {  	s3 =	sadd.s32 s0, s4;
	s7 =	sand.u32 $0x670, s7;
	s4 =	sadd.s32 $0xA00, s31  }
0xd: {  	s9 =	smax.u32 s9, $0x1;
	s1 =	sadd.s32 s7, s1;
	s5 =	sadd.s32 s5, s7  }
0xe: {  	v0 =	vimm.s32 $0x0;
	s6 =	sadd.s32 s6, s7;
	s7 =	sadd.s32 $0x8A00, s1;
	s8 =	sadd.s32 $0x9200, s1  }
.LBB2_1:
0xf: {  	[tilespmem:s2], [sflag:$0x1] =	stream.linear.gather [hbm4b:s3+s2], $0x2000, $0x38;
	[tilespmem:$0x4800] =	vst v63  }
0x10: {  	_ =	swait.ge [sflag:s10], $0x2000  }
0x11: {  	s0 =	sand.u32 $0x70, s2;
	s1 =	sand.u32 $0xC00, s2;
	[sflag:s10] =	ssyncset.done $0x0  }
0x12: {  	s19 =	sor.u32 s0, s1;
	[sflag:s10] =	ssyncadd.s32 $0xFFFFE000  }
0x13: {  	v2 =	vld [tilespmem:s19+$0x0]  }
0x14: {  	v3 =	vld [tilespmem:s19+$0x80]  }
0x15: {  	s25 =	sand.u32 $0xFFFFFC00, s2  }
0x16: {  	s0 =	sadd.s32 $0x0, s25;
	v4 =	vld [tilespmem:s19+$0x100]  }
0x17: {  	s20 =	sor.u32 $0x180, s0  }
0x18: {  	v9 =	vld [tilespmem:s20+$0x0]  }
0x19: {  	vm0 =	vgt.f32 v3, v2  }
0x1a: {  	v11 =	vld [tilespmem:s19+$0x200];
	v1 =	vsel vm0, v3, v2  }
0x1b: {  	vm1 =	vgt.f32 v4, v1  }
0x1c: {  	v12 =	vld [tilespmem:s19+$0x280];
	v1 =	vsel vm1, v4, v1  }
0x1d: {  	vm2 =	vgt.f32 v9, v1  }
0x1e: {  	s26 =	sor.u32 s2, s2;
	v14 =	vld [tilespmem:s19+$0x300];
	v1 =	vsel vm2, v9, v1  }
0x1f: {  	s21 =	sor.u32 $0x380, s26;
	vm3 =	vgt.f32 v11, v1  }
0x20: {  	v18 =	vld [tilespmem:s21+$0x0];
	v1 =	vsel vm3, v11, v1  }
0x21: {  	vm4 =	vgt.f32 v12, v1  }
0x22: {  	v15 =	vld [tilespmem:s19+$0x1000];
	v1 =	vsel vm4, v12, v1  }
0x23: {  	vm5 =	vgt.f32 v14, v1  }
0x24: {  	v17 =	vld [tilespmem:s19+$0x1080];
	v1 =	vsel vm5, v14, v1  }
0x25: {  	vm6 =	vgt.f32 v18, v1  }
0x26: {  	v10 =	vld [tilespmem:s19+$0x1100];
	v1 =	vsel vm6, v18, v1  }
0x27: {  	s22 =	sor.u32 $0x1180, s0;
	vm7 =	vgt.f32 v15, v1  }
0x28: {  	v13 =	vld [tilespmem:s22+$0x0];
	v1 =	vsel vm7, v15, v1  }
0x29: {  	v5 =	vsel vm0, $0x1, v0;
	vm0 =	vgt.f32 v17, v1  }
0x2a: {  	v7 =	vld [tilespmem:s19+$0x1200];
	v5 =	vsel vm1, $0x2, v5;
	v1 =	vsel vm0, v17, v1  }
0x2b: {  	v5 =	vsel vm2, $0x3, v5;
	vm1 =	vgt.f32 v10, v1  }
0x2c: {  	v8 =	vld [tilespmem:s19+$0x1280];
	v5 =	vsel vm3, $0x4, v5;
	v1 =	vsel vm1, v10, v1  }
0x2d: {  	v5 =	vsel vm4, $0x5, v5;
	vm2 =	vgt.f32 v13, v1  }
0x2e: {  	v6 =	vld [tilespmem:s19+$0x1300];
	v5 =	vsel vm5, $0x6, v5;
	v1 =	vsel vm2, v13, v1  }
0x2f: {  	s23 =	sor.u32 $0x1380, s26;
	v16 =	vsel vm6, $0x7, v5;
	vm3 =	vgt.f32 v7, v1  }
0x30: {  	v5 =	vld [tilespmem:s23+$0x0];
	v16 =	vsel vm7, $0x8, v16;
	v1 =	vsel vm3, v7, v1  }
0x31: {  	v16 =	vsel vm0, $0x9, v16;
	vm0 =	vgt.f32 v8, v1  }
0x32: {  	v16 =	vsel vm1, $0xA, v16;
	v1 =	vsel vm0, v8, v1  }
0x33: {  	v16 =	vsel vm2, $0xB, v16;
	vm1 =	vgt.f32 v6, v1  }
0x34: {  	v16 =	vsel vm3, $0xC, v16;
	v1 =	vsel vm1, v6, v1  }
0x35: {  	v16 =	vsel vm0, $0xD, v16;
	vm0 =	vgt.f32 v5, v1  }
0x36: {  	v19 =	vsel vm1, $0xE, v16;
	v16 =	vsel vm0, v5, v1  }
0x37: {  	v1 =	vsel vm0, $0xF, v19;
	v19 =	vsub.f32 v2, v16  }
0x38: {  	v20 =	vsub.f32 v3, v16;
	v21 =	vsub.f32 v4, v16  }
0x39: {  	v22 =	vsub.f32 v9, v16;
	v23 =	vsub.f32 v11, v16  }
0x3a: {  	vm0 =	veq.s32 v1, $0x1;
	v24 =	vsub.f32 v12, v16;
	v25 =	vsub.f32 v14, v16  }
0x3b: {  	vm1 =	veq.s32 v1, $0x0;
	v54 =	vsub.f32 v18, v16;
	v26 =	vsub.f32 v15, v16  }
0x3c: {  	v27 =	vsub.f32 v17, v16;
	vm2 =	veq.s32 v1, $0x2;
	v19 =	vmul.f32 $1.442695020e+00, v19  }
0x3d: {  	vm3 =	veq.s32 v1, $0x3;
	v57 =	vsub.f32 v13, v16;
	v28 =	vsub.f32 v7, v16  }
0x3e: {  	vm4 =	veq.s32 v1, $0x5;
	v20 =	vmul.f32 $1.442695020e+00, v20;
	(erf) = vpow2.f32 v19  }
0x3f: {  	vm5 =	veq.s32 v1, $0x6;
	vm6 =	veq.s32 v1, $0x7;
	v21 =	vmul.f32 $1.442695020e+00, v21  }
0x40: {  	v59 =	vsub.f32 v6, v16;
	v22 =	vmul.f32 $1.442695020e+00, v22;
	(erf) = vpow2.f32 v20  }
0x41: {  	(erf) = vpow2.f32 v21;
	v21 =	vsel vm3, $0xFF800000, v9;
	v9 =	vsub.f32 v10, v16  }
0x42: {  	vm7 =	veq.s32 v1, $0x8;
	vm8 =	veq.s32 v1, $0x9;
	vm9 =	veq.s32 v1, $0xA  }
0x43: {  	(erf) = vpow2.f32 v22;
	v22 =	vmul.f32 $1.442695020e+00, v9;
	v9 =	vsel vm1, $0xFF800000, v2  }
0x44: {  	vm10 =	veq.s32 v1, $0xB;
	v23 =	vmul.f32 $1.442695020e+00, v23;
	vm1 =	vgt.f32 v9, $-Inf  }
0x45: {  	v29 =	vsel vm0, $0xFF800000, v3;
	v25 =	vmul.f32 $1.442695020e+00, v25;
	v9 =	vnsel vm1, $0xFF800000, v9  }
0x46: {  	v19 =	vmul.f32 $1.442695020e+00, v24;
	(erf) = vpow2.f32 v23;
	vm0 =	vgt.f32 v29, v9  }
0x47: {  	v55 =	vmul.f32 $1.442695020e+00, v26;
	v20 =	vmul.f32 $1.442695020e+00, v54;
	v9 =	vsel vm0, v29, v9;
	v2 =	vpop (erf)  }
0x48: {  	(erf) = vpow2.f32 v19;
	v19 =	vsel vm2, $0xFF800000, v4;
	v30 =	vadd.f32 $0.0e+00, v2  }
0x49: {  	vm3 =	veq.s32 v1, $0x4;
	v23 =	vsub.f32 v8, v16;
	v3 =	vpop (erf);
	vm1 =	vgt.f32 v19, v9  }
0x4a: {  	(erf) = vpow2.f32 v25;
	v19 =	vsel vm1, v19, v9;
	v58 =	vadd.f32 v30, v3  }
0x4b: {  	v4 =	vpop (erf);
	(erf) = vpow2.f32 v20;
	v20 =	vmul.f32 $1.442695020e+00, v23;
	vm2 =	vgt.f32 v21, v19  }
0x4c: {  	v23 =	vsel vm3, $0xFF800000, v11;
	v19 =	vsel vm2, v21, v19;
	v29 =	vadd.f32 v58, v4  }
0x4d: {  	v60 =	vsel vm4, $0xFF800000, v12;
	v56 =	vmul.f32 $1.442695020e+00, v27;
	v9 =	vpop (erf);
	vm3 =	vgt.f32 v23, v19  }
0x4e: {  	(erf) = vpow2.f32 v55;
	v19 =	vsel vm3, v23, v19;
	v21 =	vadd.f32 v29, v9  }
0x4f: {  	vm11 =	veq.s32 v1, $0xC;
	v61 =	vsel vm5, $0xFF800000, v14;
	v11 =	vpop (erf);
	vm4 =	vgt.f32 v60, v19  }
0x50: {  	(erf) = vpow2.f32 v56;
	v19 =	vsel vm4, v60, v19;
	v21 =	vadd.f32 v21, v11  }
0x51: {  	v18 =	vsel vm6, $0xFF800000, v18;
	v27 =	vmul.f32 $1.442695020e+00, v57;
	v12 =	vpop (erf);
	vm5 =	vgt.f32 v61, v19  }
0x52: {  	(erf) = vpow2.f32 v22;
	v24 =	vsel vm5, v61, v19;
	v21 =	vadd.f32 v21, v12  }
0x53: {  	v62 =	vsel vm7, $0xFF800000, v15;
	v28 =	vmul.f32 $1.442695020e+00, v28;
	v14 =	vpop (erf);
	vm6 =	vgt.f32 v18, v24  }
0x54: {  	(erf) = vpow2.f32 v27;
	v18 =	vsel vm6, v18, v24;
	v21 =	vadd.f32 v21, v14  }
0x55: {  	v63 =	vsel vm8, $0xFF800000, v17;
	v23 =	vsub.f32 v5, v16;
	v19 =	vpop (erf);
	vm7 =	vgt.f32 v62, v18  }
0x56: {  	(erf) = vpow2.f32 v28;
	v18 =	vsel vm7, v62, v18;
	v21 =	vadd.f32 v21, v19  }
0x57: {  	v22 =	vmul.f32 $1.442695020e+00, v59;
	v15 =	vpop (erf);
	(erf) = vpow2.f32 v20;
	vm8 =	vgt.f32 v63, v18  }
0x58: {  	v20 =	vsel vm9, $0xFF800000, v10;
	v18 =	vsel vm8, v63, v18;
	v21 =	vadd.f32 v21, v15  }
0x59: {  	v13 =	vsel vm10, $0xFF800000, v13;
	v23 =	vmul.f32 $1.442695020e+00, v23;
	v17 =	vpop (erf);
	vm9 =	vgt.f32 v20, v18  }
0x5a: {  	(erf) = vpow2.f32 v22;
	v18 =	vsel vm9, v20, v18;
	v21 =	vadd.f32 v21, v17  }
0x5b: {  	v7 =	vsel vm11, $0xFF800000, v7;
	v10 =	vpop (erf);
	vm10 =	vgt.f32 v13, v18  }
0x5c: {  	(erf) = vpow2.f32 v23;
	v13 =	vsel vm10, v13, v18;
	v21 =	vadd.f32 v21, v10  }
0x5d: {  	vm12 =	veq.s32 v1, $0xD;
	v20 =	vpop (erf);
	vm11 =	vgt.f32 v7, v13  }
0x5e: {  	v7 =	vsel vm11, v7, v13;
	v13 =	vsel vm12, $0xFF800000, v8;
	v18 =	vadd.f32 v21, v20  }
0x5f: {  	vm13 =	veq.s32 v1, $0xE;
	v8 =	vpop (erf);
	vm12 =	vgt.f32 v13, v7  }
0x60: {  	v6 =	vsel vm13, $0xFF800000, v6;
	v7 =	vsel vm12, v13, v7;
	v18 =	vadd.f32 v18, v8  }
0x61: {  	v21 =	vpop (erf);
	vm13 =	vgt.f32 v6, v7  }
0x62: {  	vm14 =	veq.s32 v1, $0xF;
	v7 =	vsel vm13, v6, v7;
	v13 =	vadd.f32 v18, v21  }
0x63: {  	v5 =	vsel vm14, $0xFF800000, v5;
	v6 =	vpop (erf)  }
0x64: {  	vm14 =	vgt.f32 v5, v7;
	v13 =	vadd.f32 v13, v6  }
0x65: {  	v5 =	vsel vm14, v5, v7;
	v7 =	vpop (erf)  }
0x66: {  	v13 =	vadd.f32 v13, v7;
	_ =	sdelay $0x1  }
0x67: {  	(erf) = vrcp.f32 v13;
	_ =	sdelay $0x2  }
0x68: {  	v5 =	vsub.f32 v5, v16  }
0x69: {  	s29 =	simm.s32 $0x10  }
0x6a: {  	s30 =	simm.s32 $0x4410;
	s31 =	simm.s32 $0x4610;
	s11 =	simm.s32 $0x4200;
	v5 =	vmul.f32 $1.442695020e+00, v5  }
0x6b: {  	s28 =	simm.s32 $0x4200;
	s24 =	simm.s32 $0x4400;
	s1 =	simm.s32 $0x4000  }
0x6c: {  	s26 =	simm.s32 $0x4000;
	s25 =	simm.s32 $0x4600;
	s0 =	simm.s32 $0x0;
	(erf) = vpow2.f32 v5  }
.LBB2_2:
0x6d: {  	s0 =	sadd.s32 $0x80, s0;
	s1 =	sadd.s32 $0x10, s1;
	s11 =	sadd.s32 $0x10, s11  }
0x6e: {  	p0 =	sne.s32 s29, $0x1F0;
	s14 =	smov.u32 s29;
	s29 =	sadd.s32 $0x10, s29;
	v5 =	vpop (erf)  }
0x6f: {  	v2 =	vmul.f32 v5, v2;
	v3 =	vmul.f32 v5, v3  }
0x70: {  	v4 =	vmul.f32 v5, v4;
	v9 =	vmul.f32 v5, v9  }
0x71: {  	[tilespmem:s19+$0x2000] =	vst v2;
	v2 =	vmul.f32 v5, v11;
	v11 =	vmul.f32 v5, v12  }
0x72: {  	v12 =	vmul.f32 v5, v19;
	[tilespmem:s19+$0x2080] =	vst v3;
	v3 =	vmul.f32 v5, v14;
	_ =	sdelay $0x2  }
0x73: {  	[tilespmem:s19+$0x2100] =	vst v4;
	v4 =	vpop (erf)  }
0x74: {  	[tilespmem:s20+$0x2000] =	vst v9;
	v9 =	vadd.f32 $1.000000000e+00, v4  }
0x75: {  	v13 =	vsel vm0, $0x1, v0;
	[tilespmem:s19+$0x2200] =	vst v2  }
0x76: {  	s15 =	sand.u32 $0xC00, s0;
	s20 =	sand.u32 $0x70, s14;
	v2 =	vsel vm1, $0x2, v13;
	[tilespmem:s19+$0x2280] =	vst v11;
	(erf) = vrcp.f32 v9  }
0x77: {  	s15 =	sor.u32 s20, s15;
	v2 =	vsel vm2, $0x3, v2;
	[tilespmem:s19+$0x2300] =	vst v3;
	v3 =	vmul.f32 v5, v15  }
0x78: {  	v9 =	vmul.f32 v5, v17;
	v2 =	vsel vm3, $0x4, v2;
	[tilespmem:s21+$0x2000] =	vst v12  }
0x79: {  	v2 =	vsel vm4, $0x5, v2;
	[tilespmem:s19+$0x3000] =	vst v3;
	v3 =	vmul.f32 v5, v10  }
0x7a: {  	s20 =	sand.u32 $0xFFFFFC00, s0;
	v2 =	vsel vm5, $0x6, v2;
	[tilespmem:s19+$0x3080] =	vst v9;
	v9 =	vmul.f32 v5, v20  }
0x7b: {  	s16 =	sadd.s32 s20, s14;
	v2 =	vsel vm6, $0x7, v2;
	[tilespmem:s19+$0x3100] =	vst v3;
	v3 =	vmul.f32 v5, v21  }
0x7c: {  	v8 =	vmul.f32 v5, v8;
	s20 =	sor.u32 $0x180, s16;
	v2 =	vsel vm7, $0x8, v2;
	[tilespmem:s22+$0x2000] =	vst v9  }
0x7d: {  	v6 =	vmul.f32 v5, v6;
	v2 =	vsel vm8, $0x9, v2;
	[tilespmem:s19+$0x3280] =	vst v3  }
0x7e: {  	v5 =	vmul.f32 v5, v7;
	v2 =	vsel vm9, $0xA, v2;
	[tilespmem:s19+$0x3200] =	vst v8  }
0x7f: {  	v2 =	vsel vm10, $0xB, v2;
	[tilespmem:s19+$0x3300] =	vst v6;
	v3 =	vpop (erf);
	s19 =	smov.u32 s15  }
0x80: {  	v2 =	vsel vm11, $0xC, v2;
	[tilespmem:s23+$0x2000] =	vst v5;
	v4 =	vmul.f32 v3, v4  }
0x81: {  	v2 =	vsel vm12, $0xD, v2;
	[tilespmem:s26+$0x0] =	vst v3;
	s26 =	smov.u32 s1  }
0x82: {  	v2 =	vsel vm13, $0xE, v2;
	[tilespmem:s28+$0x0] =	vst v4;
	s28 =	smov.u32 s11  }
0x83: {  	s14 =	sor.u32 s14, s0;
	v2 =	vsel vm14, $0xF, v2;
	[tilespmem:s24+$0x0] =	vst v1;
	s24 =	smov.u32 s30  }
0x84: {  	s21 =	sor.u32 $0x380, s14;
	[tilespmem:s25+$0x0] =	vst v2;
	s25 =	smov.u32 s31  }
0x85: {  	v11 =	vld [tilespmem:s19+$0x0]  }
0x86: {  	v9 =	vld [tilespmem:s19+$0x100]  }
0x87: {  	v4 =	vld [tilespmem:s19+$0x80]  }
0x88: {  	v2 =	vld [tilespmem:s20+$0x0]  }
0x89: {  	v10 =	vld [tilespmem:s19+$0x1080]  }
0x8a: {  	v14 =	vld [tilespmem:s19+$0x280]  }
0x8b: {  	v8 =	vld [tilespmem:s19+$0x1100]  }
0x8c: {  	s22 =	sor.u32 $0x1180, s16;
	v12 =	vld [tilespmem:s19+$0x200];
	vm0 =	vgt.f32 v4, v11  }
0x8d: {  	v6 =	vld [tilespmem:s22+$0x0];
	v1 =	vsel vm0, v4, v11;
	v3 =	vsel vm0, $0x1, v0  }
0x8e: {  	v15 =	vld [tilespmem:s19+$0x300];
	vm0 =	vgt.f32 v9, v1  }
0x8f: {  	v7 =	vld [tilespmem:s19+$0x1200];
	v1 =	vsel vm0, v9, v1;
	v3 =	vsel vm0, $0x2, v3  }
0x90: {  	vm0 =	vgt.f32 v2, v1  }
0x91: {  	v20 =	vld [tilespmem:s21+$0x0];
	v1 =	vsel vm0, v2, v1  }
0x92: {  	vm1 =	vgt.f32 v12, v1  }
0x93: {  	v1 =	vsel vm1, v12, v1  }
0x94: {  	s23 =	sor.u32 $0x1380, s14;
	v3 =	vsel vm0, $0x3, v3;
	v17 =	vld [tilespmem:s19+$0x1000];
	vm0 =	vgt.f32 v14, v1  }
0x95: {  	v3 =	vsel vm1, $0x4, v3;
	v5 =	vld [tilespmem:s23+$0x0];
	v1 =	vsel vm0, v14, v1  }
0x96: {  	v3 =	vsel vm0, $0x5, v3;
	vm0 =	vgt.f32 v15, v1  }
0x97: {  	v1 =	vsel vm0, v15, v1;
	v3 =	vsel vm0, $0x6, v3  }
0x98: {  	vm0 =	vgt.f32 v20, v1  }
0x99: {  	v1 =	vsel vm0, v20, v1;
	v3 =	vsel vm0, $0x7, v3  }
0x9a: {  	vm0 =	vgt.f32 v17, v1  }
0x9b: {  	v1 =	vsel vm0, v17, v1  }
0x9c: {  	vm1 =	vgt.f32 v10, v1  }
0x9d: {  	v3 =	vsel vm0, $0x8, v3;
	v13 =	vld [tilespmem:s19+$0x1280];
	v1 =	vsel vm1, v10, v1  }
0x9e: {  	v3 =	vsel vm1, $0x9, v3;
	vm0 =	vgt.f32 v8, v1  }
0x9f: {  	v1 =	vsel vm0, v8, v1;
	v3 =	vsel vm0, $0xA, v3  }
0xa0: {  	vm0 =	vgt.f32 v6, v1  }
0xa1: {  	v16 =	vld [tilespmem:s19+$0x1300];
	v1 =	vsel vm0, v6, v1;
	v3 =	vsel vm0, $0xB, v3  }
0xa2: {  	vm0 =	vgt.f32 v7, v1  }
0xa3: {  	v1 =	vsel vm0, v7, v1  }
0xa4: {  	vm1 =	vgt.f32 v13, v1  }
0xa5: {  	v1 =	vsel vm1, v13, v1  }
0xa6: {  	v3 =	vsel vm0, $0xC, v3;
	vm0 =	vgt.f32 v16, v1  }
0xa7: {  	v3 =	vsel vm1, $0xD, v3;
	v1 =	vsel vm0, v16, v1  }
0xa8: {  	v3 =	vsel vm0, $0xE, v3;
	vm0 =	vgt.f32 v5, v1  }
0xa9: {  	v18 =	vsel vm0, v5, v1;
	v1 =	vsel vm0, $0xF, v3  }
0xaa: {  	v3 =	vsub.f32 v11, v18;
	v19 =	vsub.f32 v4, v18;
	vm0 =	veq.s32 v1, $0x1  }
0xab: {  	vm1 =	veq.s32 v1, $0x0;
	v21 =	vsub.f32 v9, v18;
	v22 =	vsub.f32 v2, v18  }
0xac: {  	v23 =	vsub.f32 v12, v18;
	v3 =	vmul.f32 $1.442695020e+00, v3;
	v19 =	vmul.f32 $1.442695020e+00, v19  }
0xad: {  	v24 =	vsub.f32 v14, v18;
	v21 =	vmul.f32 $1.442695020e+00, v21;
	v22 =	vmul.f32 $1.442695020e+00, v22  }
0xae: {  	v25 =	vsub.f32 v15, v18;
	v23 =	vmul.f32 $1.442695020e+00, v23;
	(erf) = vpow2.f32 v3  }
0xaf: {  	v26 =	vsub.f32 v17, v18;
	v3 =	vmul.f32 $1.442695020e+00, v24;
	v24 =	vsub.f32 v20, v18  }
0xb0: {  	v27 =	vsub.f32 v10, v18;
	v25 =	vmul.f32 $1.442695020e+00, v25;
	(erf) = vpow2.f32 v19  }
0xb1: {  	vm2 =	veq.s32 v1, $0x2;
	v19 =	vmul.f32 $1.442695020e+00, v24;
	v24 =	vmul.f32 $1.442695020e+00, v26  }
0xb2: {  	vm3 =	veq.s32 v1, $0x3;
	v26 =	vmul.f32 $1.442695020e+00, v27;
	(erf) = vpow2.f32 v21  }
0xb3: {  	v27 =	vsub.f32 v6, v18;
	v21 =	vsel vm3, $0xFF800000, v2;
	v2 =	vsub.f32 v8, v18  }
0xb4: {  	v28 =	vsub.f32 v7, v18;
	vm3 =	veq.s32 v1, $0x4;
	(erf) = vpow2.f32 v22  }
0xb5: {  	vm4 =	veq.s32 v1, $0x5;
	v27 =	vmul.f32 $1.442695020e+00, v27;
	v22 =	vmul.f32 $1.442695020e+00, v2  }
0xb6: {  	v29 =	vsub.f32 v13, v18;
	v28 =	vmul.f32 $1.442695020e+00, v28;
	(erf) = vpow2.f32 v23  }
0xb7: {  	vm5 =	veq.s32 v1, $0x6;
	vm6 =	veq.s32 v1, $0x7;
	v23 =	vsub.f32 v16, v18;
	v2 =	vpop (erf)  }
0xb8: {  	v29 =	vmul.f32 $1.442695020e+00, v29;
	v30 =	vadd.f32 $0.0e+00, v2;
	(erf) = vpow2.f32 v3  }
0xb9: {  	vm7 =	veq.s32 v1, $0x8;
	v31 =	vsub.f32 v5, v18;
	v23 =	vmul.f32 $1.442695020e+00, v23;
	v3 =	vpop (erf)  }
0xba: {  	v11 =	vsel vm1, $0xFF800000, v11;
	v30 =	vadd.f32 v30, v3;
	(erf) = vpow2.f32 v25  }
0xbb: {  	vm1 =	vgt.f32 v11, $-Inf;
	v31 =	vmul.f32 $1.442695020e+00, v31;
	v25 =	vsel vm0, $0xFF800000, v4;
	v4 =	vpop (erf)  }
0xbc: {  	v11 =	vnsel vm1, $0xFF800000, v11;
	v30 =	vadd.f32 v30, v4;
	(erf) = vpow2.f32 v19  }
0xbd: {  	vm8 =	veq.s32 v1, $0x9;
	vm0 =	vgt.f32 v25, v11;
	v19 =	vsel vm2, $0xFF800000, v9;
	v9 =	vpop (erf)  }
0xbe: {  	v25 =	vsel vm0, v25, v11;
	v30 =	vadd.f32 v30, v9;
	(erf) = vpow2.f32 v24  }
0xbf: {  	vm9 =	veq.s32 v1, $0xA;
	vm10 =	veq.s32 v1, $0xB;
	vm1 =	vgt.f32 v19, v25;
	v11 =	vpop (erf)  }
0xc0: {  	v19 =	vsel vm1, v19, v25;
	v24 =	vadd.f32 v30, v11;
	(erf) = vpow2.f32 v26  }
0xc1: {  	vm11 =	veq.s32 v1, $0xC;
	v25 =	vsel vm3, $0xFF800000, v12;
	vm2 =	vgt.f32 v21, v19;
	v12 =	vpop (erf)  }
0xc2: {  	v19 =	vsel vm2, v21, v19;
	v21 =	vadd.f32 v24, v12;
	(erf) = vpow2.f32 v22  }
0xc3: {  	vm12 =	veq.s32 v1, $0xD;
	vm3 =	vgt.f32 v25, v19;
	v22 =	vsel vm4, $0xFF800000, v14;
	v14 =	vpop (erf)  }
0xc4: {  	v24 =	vsel vm3, v25, v19;
	v21 =	vadd.f32 v21, v14;
	(erf) = vpow2.f32 v27  }
0xc5: {  	vm13 =	veq.s32 v1, $0xE;
	v25 =	vsel vm5, $0xFF800000, v15;
	vm4 =	vgt.f32 v22, v24;
	v19 =	vpop (erf)  }
0xc6: {  	v22 =	vsel vm4, v22, v24;
	v21 =	vadd.f32 v21, v19;
	(erf) = vpow2.f32 v28  }
0xc7: {  	vm14 =	veq.s32 v1, $0xF;
	v20 =	vsel vm6, $0xFF800000, v20;
	vm5 =	vgt.f32 v25, v22;
	v15 =	vpop (erf)  }
0xc8: {  	v22 =	vsel vm5, v25, v22;
	v21 =	vadd.f32 v21, v15;
	(erf) = vpow2.f32 v29  }
0xc9: {  	v24 =	vsel vm7, $0xFF800000, v17;
	vm6 =	vgt.f32 v20, v22;
	v17 =	vpop (erf)  }
0xca: {  	v20 =	vsel vm6, v20, v22;
	v21 =	vadd.f32 v21, v17;
	(erf) = vpow2.f32 v23  }
0xcb: {  	v22 =	vsel vm8, $0xFF800000, v10;
	vm7 =	vgt.f32 v24, v20;
	v10 =	vpop (erf)  }
0xcc: {  	v23 =	vsel vm7, v24, v20;
	v21 =	vadd.f32 v21, v10;
	(erf) = vpow2.f32 v31  }
0xcd: {  	vm8 =	vgt.f32 v22, v23;
	v20 =	vpop (erf)  }
0xce: {  	v22 =	vsel vm8, v22, v23;
	v23 =	vsel vm9, $0xFF800000, v8;
	v24 =	vadd.f32 v21, v20  }
0xcf: {  	vm9 =	vgt.f32 v23, v22;
	v8 =	vpop (erf)  }
0xd0: {  	v6 =	vsel vm10, $0xFF800000, v6;
	v22 =	vsel vm9, v23, v22;
	v23 =	vadd.f32 v24, v8  }
0xd1: {  	vm10 =	vgt.f32 v6, v22;
	v21 =	vpop (erf)  }
0xd2: {  	v7 =	vsel vm11, $0xFF800000, v7;
	v22 =	vsel vm10, v6, v22;
	v23 =	vadd.f32 v23, v21  }
0xd3: {  	vm11 =	vgt.f32 v7, v22;
	v6 =	vpop (erf)  }
0xd4: {  	v13 =	vsel vm12, $0xFF800000, v13;
	v22 =	vsel vm11, v7, v22;
	v23 =	vadd.f32 v23, v6  }
0xd5: {  	vm12 =	vgt.f32 v13, v22;
	v7 =	vpop (erf)  }
0xd6: {  	v16 =	vsel vm13, $0xFF800000, v16;
	v13 =	vsel vm12, v13, v22;
	v22 =	vadd.f32 v23, v7  }
0xd7: {  	vm13 =	vgt.f32 v16, v13  }
0xd8: {  	v5 =	vsel vm14, $0xFF800000, v5;
	v13 =	vsel vm13, v16, v13;
	(erf) = vrcp.f32 v22  }
0xd9: {  	vm14 =	vgt.f32 v5, v13  }
0xda: {  	v5 =	vsel vm14, v5, v13  }
.Ltmp0:
0xdb: {  	v5 =	vsub.f32 v5, v18;
	(pc) =	sbr.rel @p0 .LBB2_2-.Ltmp0, $3  }
0xdc: {  	_ = 	snop  }
0xdd: {  	v5 =	vmul.f32 $1.442695020e+00, v5;
	_ =	sdelay $0x1  }
0xde: {  	s30 =	sadd.s32 $0x10, s30;
	s31 =	sadd.s32 $0x10, s31;
	(erf) = vpow2.f32 v5  }
0xdf: {  	_ =	sdelay $0x2  }
0xe0: {  	v5 =	vpop (erf)  }
0xe1: {  	v2 =	vmul.f32 v5, v2  }
0xe2: {  	v3 =	vmul.f32 v5, v3  }
0xe3: {  	v4 =	vmul.f32 v5, v4;
	[tilespmem:s19+$0x2000] =	vst v2  }
0xe4: {  	v2 =	vmul.f32 v5, v9;
	[tilespmem:s19+$0x2080] =	vst v3  }
0xe5: {  	v3 =	vmul.f32 v5, v11;
	[tilespmem:s19+$0x2100] =	vst v4;
	v56 =	vpop (erf)  }
0xe6: {  	v57 =	vmul.f32 v5, v12;
	[tilespmem:s20+$0x2000] =	vst v2;
	v2 =	vadd.f32 $1.000000000e+00, v56  }
0xe7: {  	v59 =	vsel vm0, $0x1, v0;
	v58 =	vmul.f32 v5, v14;
	[tilespmem:s19+$0x2200] =	vst v3  }
0xe8: {  	v12 =	vsel vm1, $0x2, v59;
	v3 =	vmul.f32 v5, v19;
	[tilespmem:s19+$0x2280] =	vst v57;
	(erf) = vrcp.f32 v2  }
0xe9: {  	v60 =	vmul.f32 v5, v15;
	[tilespmem:s19+$0x2300] =	vst v58;
	v2 =	vsel vm2, $0x3, v12  }
0xea: {  	[tilespmem:s21+$0x2000] =	vst v3;
	v3 =	vmul.f32 v5, v17;
	v2 =	vsel vm3, $0x4, v2  }
0xeb: {  	v61 =	vmul.f32 v5, v10;
	[tilespmem:s19+$0x3000] =	vst v60;
	v2 =	vsel vm4, $0x5, v2  }
0xec: {  	[tilespmem:s19+$0x3080] =	vst v3;
	v3 =	vmul.f32 v5, v20;
	v2 =	vsel vm5, $0x6, v2  }
0xed: {  	v62 =	vmul.f32 v5, v21;
	[tilespmem:s19+$0x3100] =	vst v61;
	v2 =	vsel vm6, $0x7, v2  }
0xee: {  	[tilespmem:s22+$0x2000] =	vst v3;
	v3 =	vmul.f32 v5, v8;
	v2 =	vsel vm7, $0x8, v2  }
0xef: {  	v6 =	vmul.f32 v5, v6;
	[tilespmem:s19+$0x3280] =	vst v62;
	v2 =	vsel vm8, $0x9, v2  }
0xf0: {  	[tilespmem:s19+$0x3200] =	vst v3;
	v3 =	vmul.f32 v5, v7;
	v2 =	vsel vm9, $0xA, v2  }
0xf1: {  	[tilespmem:s19+$0x3300] =	vst v6;
	v2 =	vsel vm10, $0xB, v2;
	v63 =	vpop (erf)  }
0xf2: {  	[tilespmem:s23+$0x2000] =	vst v3;
	v2 =	vsel vm11, $0xC, v2;
	v3 =	vmul.f32 v63, v56  }
0xf3: {  	v2 =	vsel vm12, $0xD, v2;
	[tilespmem:s26+$0x0] =	vst v63  }
0xf4: {  	v2 =	vsel vm13, $0xE, v2;
	[tilespmem:s28+$0x0] =	vst v3  }
0xf5: {  	v2 =	vsel vm14, $0xF, v2;
	[tilespmem:s24+$0x0] =	vst v1  }
0xf6: {  	s0 =	simm.s32 $0x2000;
	[tilespmem:s25+$0x0] =	vst v2  }
0xf7: {  	[hbm4b:s4+s2] =	stream.linear.scatter [tilespmem:s0], [sflag:$0x1], $0x2000, $0x38;
	[tilespmem:$0x4800] =	vst v63  }
0xf8: {  	_ =	swait.ge [sflag:s10], $0x2000  }
0xf9: {  	[sflag:s10] =	ssyncset.done $0x0  }
0xfa: {  	s29 =	simm.s32 $0x4000;
	[sflag:s10] =	ssyncadd.s32 $0xFFFFE000  }
0xfb: {  	[hbm4b:s5+s12] =	stream.strided.scatter [tilespmem:s29], [sflag:$0x1], $0x200, s13, s12, $0x38;
	[tilespmem:$0x4800] =	vst v63  }
0xfc: {  	_ =	swait.ge [sflag:s10], $0x200  }
0xfd: {  	[sflag:s10] =	ssyncset.done $0x0  }
0xfe: {  	s30 =	simm.s32 $0x4200;
	[sflag:s10] =	ssyncadd.s32 $0xFFFFFE00  }
0xff: {  	[hbm4b:s6+s12] =	stream.strided.scatter [tilespmem:s30], [sflag:$0x1], $0x200, s13, s12, $0x38;
	[tilespmem:$0x4800] =	vst v63  }
0x100: {  	_ =	swait.ge [sflag:s10], $0x200  }
0x101: {  	[sflag:s10] =	ssyncset.done $0x0  }
0x102: {  	s31 =	simm.s32 $0x4400;
	[sflag:s10] =	ssyncadd.s32 $0xFFFFFE00  }
0x103: {  	[hbm4b:s7+s12] =	stream.strided.scatter [tilespmem:s31], [sflag:$0x1], $0x200, s13, s12, $0x38;
	[tilespmem:$0x4800] =	vst v63  }
0x104: {  	s18 =	sadd.s32 $0x1, s18;
	_ =	swait.ge [sflag:s10], $0x200  }
0x105: {  	p0 =	sne.s32 s18, s9;
	[sflag:s10] =	ssyncset.done $0x0  }
.Ltmp1:
0x106: {  	[sflag:s10] =	ssyncadd.s32 $0xFFFFFE00;
	(pc) =	sbr.rel @p0 .LBB2_1-.Ltmp1, $4  }
0x107: {  	[hbm4b:s8+s12] =	stream.strided.scatter [tilespmem:s17], [sflag:$0x1], $0x200, s13, s12, $0x38;
	[tilespmem:$0x4800] =	vst v63  }
0x108: {  	_ =	swait.ge [sflag:s10], $0x200  }
0x109: {  	[sflag:s10] =	ssyncset.done $0x0  }
0x10a: {  	[sflag:s10] =	ssyncadd.s32 $0xFFFFFE00  }
0x10b: {  	_ =	sfence.sel $0x180000  }
0x10c: {  	[bflag:$0x0] =	sbarrier.arrive $0xFFFF  }
0x10d: {  	_ =	strace $0x90000047  }
0x10e: {  	s0 =	stileid.u32;
	[bflag:$0x2] =	sbarrier.arrive $0xFFFF  }
0x10f: {  	p0 =	sne.s32 s0, $0x0;
	s0 =	rddreg [dreg:$0x4]  }
0x110: {  	s0 =	sadd.s32 @!p0 $0x100000, s0  }
0x111: {  	[sflag:s0] =	ssyncadd.tile.s32 @!p0 $0x1;
	_ =	shalt  }
.Lfunc_end2:
_tile_overlayer_lowered:
.L_overlay_start_2:
0x112: {  	(tag) =	ssettag $0x2  }
0x113: {  	s0 =	rddreg [dreg:$0x0];
	s2 =	stileid.u32  }
0x114: {  	s1 =	rddreg [dreg:$0x1];
	p0 =	sne.s32 s2, $0x0  }
0x115: {  	s3 =	rddreg [dreg:$0x2];
	[bflag:$0x3] =	sbarrier.arrive $0xFFFF;
	s2 =	simm.s32 @!p0 $0x1C01  }
0x116: {  	[timem:s3], [sflag:s2] =	dma.local @!p0 [hbm:s0], s1  }
0x117: {  	s0 =	simm.s32 @!p0 $0x1  }
0x118: {  	_ =	swait.ge @!p0 [sflag:s0], s1  }
0x119: {  	s1 =	ssub.s32 @!p0 $0x0, s1;
	[sflag:s0] =	ssyncset.done @!p0 $0x0  }
0x11a: {  	[sflag:s0] =	ssyncadd.s32 @!p0 s1  }
0x11b: {  	[bflag:$0x3] =	sbarrier.arrive $0xFFFF  }
0x11c: {  	_ =	shalt  }

</sc_bundles>
